<compile_context>
chip_gen: v7x
topology: tpu7x:2x2x1
jax: 0.10.2.dev20260603
libtpu: 0.0.44.dev20260713+nightly
codegen_flags: <defaults>
</compile_context>

<pallas_src>
import functools

import jax
import jax.numpy as jnp
from jax import lax
from jax.experimental import pallas as pl
from jax.experimental.pallas import tpu as pltpu
from jax.experimental.pallas import tpu_sc as plsc

L = 16
BCHUNK = 8192
UNROLL = 8


def kernel(dom_idx, paras):
  B = dom_idx.shape[0]
  V, D = paras.shape
  table_t = paras.T
  info = plsc.get_sparse_core_info()
  nc = info.num_cores
  nw = nc * info.num_subcores
  c_per_w = D // nw
  n_chunks = B // BCHUNK
  n_groups = BCHUNK // L

  mesh = plsc.VectorSubcoreMesh(core_axis_name="c", subcore_axis_name="s")

  @functools.partial(
      pl.kernel,
      mesh=mesh,
      out_type=jax.ShapeDtypeStruct((D, B), jnp.float32),
      compiler_params=pltpu.CompilerParams(needs_layout_passes=False),
      scratch_types=[
          pltpu.VMEM((B,), jnp.int32),
          pltpu.VMEM((1, V), jnp.float32),
          pltpu.VMEM((1, BCHUNK), jnp.float32),
          pltpu.SemaphoreType.DMA,
      ],
  )
  def gather_kernel(idx_hbm, table_hbm, out_hbm, idx_v, chan_v, outbuf_v,
                    sem):
    wid = lax.axis_index("s") * nc + lax.axis_index("c")
    pltpu.sync_copy(idx_hbm.at[...], idx_v)
    zeros = jnp.zeros((L,), jnp.int32)

    for j in range(c_per_w):
      ch = wid * c_per_w + j
      pltpu.sync_copy(table_hbm.at[pl.ds(ch, 1), :], chan_v)
      for k in range(n_chunks):

        def gather_group(gu, carry, k=k):
          for u in range(UNROLL):
            g = gu * UNROLL + u
            v = idx_v[pl.ds(k * BCHUNK + g * L, L)]
            outbuf_v[0, pl.ds(g * L, L)] = plsc.load_gather(
                chan_v, [zeros, v])
          return carry

        lax.fori_loop(0, n_groups // UNROLL, gather_group, 0)
        pltpu.sync_copy(
            outbuf_v, out_hbm.at[pl.ds(ch, 1), pl.ds(k * BCHUNK, BCHUNK)]
        )

  out_t = gather_kernel(dom_idx, table_t)
  return out_t.T

# --- scband reference (transcript-rebuilt; emitter-appended) ---
"""Pipeline reference for scband-ada-in-para-89335319757190 (READ-ONLY COPY).

The authoritative reference and input builder live on the scoring server;
editing this copy changes nothing except your own understanding.
"""

import jax, jax.numpy as jnp
import numpy as np

NUM_DOMS = 100000
NUM_CHANNELS = 64
BATCH = 16384


def setup_inputs(seed: int = 0) -> dict:
    key = jax.random.key(seed)
    k1, k2 = jax.random.split(key)
    dom_idx = jax.random.randint(k1, (BATCH,), 0, NUM_DOMS, dtype=jnp.int64 if jax.config.jax_enable_x64 else jnp.int32)
    # learned parameter table (torch inits to zeros; use randn for a non-degenerate reference)
    paras = jax.random.normal(k2, (NUM_DOMS, NUM_CHANNELS), dtype=jnp.float32) * 0.02
    return {"dom_idx": dom_idx, "paras": paras}


def reference(dom_idx, paras):
    # AdaInPara.forward: return self.paras[dom_idx]
    return jnp.take(paras, dom_idx, axis=0)

if __name__ == "__main__":
    import jax
    _d = setup_inputs()
    print(jax.jit(kernel)(*tuple(_d.values())))

</pallas_src>

<mosaic_0001>
#map = affine_map<(d0, d1) -> (0)>
#map1 = affine_map<(d0, d1) -> (0, 0)>
module attributes {stable_mosaic.version = 14 : i64} {
  func.func @gather_kernel(%arg0: i32, %arg1: i32, %arg2: memref<16384xi32, #tpu.memory_space<hbm>>, %arg3: memref<64x100000xf32, #tpu.memory_space<hbm>>, %arg4: memref<64x16384xf32, #tpu.memory_space<hbm>>, %arg5: memref<16384xi32, #tpu.memory_space<vmem>>, %arg6: memref<1x100000xf32, #tpu.memory_space<vmem>>, %arg7: memref<1x8192xf32, #tpu.memory_space<vmem>>, %arg8: memref<!tpu.dma_semaphore, #tpu.memory_space<semaphore_mem>>) attributes {dimension_semantics = [#tpu.dimension_semantics<core_parallel>, #tpu.dimension_semantics<subcore_parallel>], iteration_bounds = array<i64: 2, 16>, scalar_prefetch = 0 : i64, scratch_operands = 4 : i64, tpu.core_type = #tpu.core_type<sc_vector_subcore>, window_params = [{transform_indices = #map}, {transform_indices = #map1}, {transform_indices = #map1}]} {
    %mul3A = arith.constant 2 : i32
    %mul3A_0 = arith.muli %arg1, %mul3A : i32
    %add3A = arith.addi %mul3A_0, %arg0 : i32
    "tpu.region"() ({
      %run_scoped3A = tpu.sem_alloc : memref<!tpu.dma_semaphore, #tpu.memory_space<semaphore_mem>>
      %dma_start3A = arith.constant 0 : i32
      %dma_start3A_33 = tpu.memref_slice %arg2[%dma_start3A] : memref<16384xi32, #tpu.memory_space<hbm>> -> memref<16384xi32, #tpu.memory_space<hbm>>
      %dma_start3A_34 = arith.constant 0 : i32
      %dma_start3A_35 = tpu.memref_slice %arg2[%dma_start3A_34] : memref<16384xi32, #tpu.memory_space<hbm>> -> memref<16384xi32, #tpu.memory_space<hbm>>
      tpu.enqueue_dma source(%dma_start3A_35 : memref<16384xi32, #tpu.memory_space<hbm>>) target(%arg5 : memref<16384xi32, #tpu.memory_space<vmem>>) target_semaphore(%run_scoped3A : memref<!tpu.dma_semaphore, #tpu.memory_space<semaphore_mem>>)
      %dma_wait3A = arith.constant 0 : i32
      %dma_wait3A_36 = tpu.memref_slice %arg2[%dma_wait3A] : memref<16384xi32, #tpu.memory_space<hbm>> -> memref<16384xi32, #tpu.memory_space<hbm>>
      %dma_wait3A_37 = arith.constant 0 : i32
      %dma_wait3A_38 = tpu.memref_slice %arg2[%dma_wait3A_37] : memref<16384xi32, #tpu.memory_space<hbm>> -> memref<16384xi32, #tpu.memory_space<hbm>>
      tpu.wait_dma2 semaphore(%run_scoped3A : memref<!tpu.dma_semaphore, #tpu.memory_space<semaphore_mem>>) src(%dma_wait3A_38 : memref<16384xi32, #tpu.memory_space<hbm>>) dst(%arg5 : memref<16384xi32, #tpu.memory_space<vmem>>)
      tpu.yield
    }) : () -> ()
    %broadcast_in_dim3A = arith.constant 0 : i32
    %broadcast_in_dim3A_1 = vector.broadcast %broadcast_in_dim3A : i32 to vector<16xi32>
    %mul3A_2 = arith.constant 2 : i32
    %mul3A_3 = arith.muli %add3A, %mul3A_2 : i32
    %add3A_4 = arith.constant 0 : i32
    %add3A_5 = arith.addi %mul3A_3, %add3A_4 : i32
    "tpu.region"() ({
      %run_scoped3A = tpu.sem_alloc : memref<!tpu.dma_semaphore, #tpu.memory_space<semaphore_mem>>
      %dma_start3A = arith.constant 0 : i32
      %dma_start3A_33 = tpu.memref_slice %arg3[%add3A_5, %dma_start3A] : memref<64x100000xf32, #tpu.memory_space<hbm>> -> memref<1x100000xf32, #tpu.memory_space<hbm>>
      %dma_start3A_34 = arith.constant 0 : i32
      %dma_start3A_35 = tpu.memref_slice %arg3[%add3A_5, %dma_start3A_34] : memref<64x100000xf32, #tpu.memory_space<hbm>> -> memref<1x100000xf32, #tpu.memory_space<hbm>>
      tpu.enqueue_dma source(%dma_start3A_35 : memref<1x100000xf32, #tpu.memory_space<hbm>>) target(%arg6 : memref<1x100000xf32, #tpu.memory_space<vmem>>) target_semaphore(%run_scoped3A : memref<!tpu.dma_semaphore, #tpu.memory_space<semaphore_mem>>)
      %dma_wait3A = arith.constant 0 : i32
      %dma_wait3A_36 = tpu.memref_slice %arg3[%add3A_5, %dma_wait3A] : memref<64x100000xf32, #tpu.memory_space<hbm>> -> memref<1x100000xf32, #tpu.memory_space<hbm>>
      %dma_wait3A_37 = arith.constant 0 : i32
      %dma_wait3A_38 = tpu.memref_slice %arg3[%add3A_5, %dma_wait3A_37] : memref<64x100000xf32, #tpu.memory_space<hbm>> -> memref<1x100000xf32, #tpu.memory_space<hbm>>
      tpu.wait_dma2 semaphore(%run_scoped3A : memref<!tpu.dma_semaphore, #tpu.memory_space<semaphore_mem>>) src(%dma_wait3A_38 : memref<1x100000xf32, #tpu.memory_space<hbm>>) dst(%arg6 : memref<1x100000xf32, #tpu.memory_space<vmem>>)
      tpu.yield
    }) : () -> ()
    %scan3A = arith.constant 0 : i32
    %scan3A_6 = arith.constant 0 : i32
    %scan3A_7 = arith.constant 64 : i32
    %scan3A_8 = arith.addi %scan3A_6, %scan3A_7 : i32
    %scan3A_9 = arith.constant 1 : i32
    scf.for %scan3A_33 = %scan3A_6 to %scan3A_8 step %scan3A_9  : i32 {
      %mul3A_34 = arith.constant 8 : i32
      %mul3A_35 = arith.muli %scan3A_33, %mul3A_34 : i32
      %add3A_36 = arith.constant 0 : i32
      %add3A_37 = arith.addi %mul3A_35, %add3A_36 : i32
      %mul3A_38 = arith.constant 16 : i32
      %mul3A_39 = arith.muli %add3A_37, %mul3A_38 : i32
      %add3A_40 = arith.constant 0 : i32
      %add3A_41 = arith.addi %add3A_40, %mul3A_39 : i32
      %get3A = arith.index_cast %add3A_41 : i32 to index
      %get3A_42 = tpu.vector_load %arg5[%get3A] {strides = array<i32>} : memref<16384xi32, #tpu.memory_space<vmem>>, vector<16xi32>,
      %gather3A = tpu.vector_load_idx %arg6[%broadcast_in_dim3A_1, %get3A_42] : memref<1x100000xf32, #tpu.memory_space<vmem>>[vector<16xi32>, vector<16xi32>], vector<16xf32>,
      %mul3A_43 = arith.constant 16 : i32
      %mul3A_44 = arith.muli %add3A_37, %mul3A_43 : i32
      %swap3A = arith.constant 0 : i32
      %swap3A_45 = arith.index_cast %swap3A : i32 to index
      %swap3A_46 = arith.index_cast %mul3A_44 : i32 to index
      %swap3A_47 = tpu.vector_load %arg7[%swap3A_45, %swap3A_46] {strides = array<i32>} : memref<1x8192xf32, #tpu.memory_space<vmem>>, vector<16xf32>,
      tpu.vector_store %arg7[%swap3A_45, %swap3A_46], %gather3A {strides = array<i32>} : memref<1x8192xf32, #tpu.memory_space<vmem>>, vector<16xf32>,
      %mul3A_48 = arith.constant 8 : i32
      %mul3A_49 = arith.muli %scan3A_33, %mul3A_48 : i32
      %add3A_50 = arith.constant 1 : i32
      %add3A_51 = arith.addi %mul3A_49, %add3A_50 : i32
      %mul3A_52 = arith.constant 16 : i32
      %mul3A_53 = arith.muli %add3A_51, %mul3A_52 : i32
      %add3A_54 = arith.constant 0 : i32
      %add3A_55 = arith.addi %add3A_54, %mul3A_53 : i32
      %get3A_56 = arith.index_cast %add3A_55 : i32 to index
      %get3A_57 = tpu.vector_load %arg5[%get3A_56] {strides = array<i32>} : memref<16384xi32, #tpu.memory_space<vmem>>, vector<16xi32>,
      %gather3A_58 = tpu.vector_load_idx %arg6[%broadcast_in_dim3A_1, %get3A_57] : memref<1x100000xf32, #tpu.memory_space<vmem>>[vector<16xi32>, vector<16xi32>], vector<16xf32>,
      %mul3A_59 = arith.constant 16 : i32
      %mul3A_60 = arith.muli %add3A_51, %mul3A_59 : i32
      %swap3A_61 = arith.constant 0 : i32
      %swap3A_62 = arith.index_cast %swap3A_61 : i32 to index
      %swap3A_63 = arith.index_cast %mul3A_60 : i32 to index
      %swap3A_64 = tpu.vector_load %arg7[%swap3A_62, %swap3A_63] {strides = array<i32>} : memref<1x8192xf32, #tpu.memory_space<vmem>>, vector<16xf32>,
      tpu.vector_store %arg7[%swap3A_62, %swap3A_63], %gather3A_58 {strides = array<i32>} : memref<1x8192xf32, #tpu.memory_space<vmem>>, vector<16xf32>,
      %mul3A_65 = arith.constant 8 : i32
      %mul3A_66 = arith.muli %scan3A_33, %mul3A_65 : i32
      %add3A_67 = arith.constant 2 : i32
      %add3A_68 = arith.addi %mul3A_66, %add3A_67 : i32
      %mul3A_69 = arith.constant 16 : i32
      %mul3A_70 = arith.muli %add3A_68, %mul3A_69 : i32
      %add3A_71 = arith.constant 0 : i32
      %add3A_72 = arith.addi %add3A_71, %mul3A_70 : i32
      %get3A_73 = arith.index_cast %add3A_72 : i32 to index
      %get3A_74 = tpu.vector_load %arg5[%get3A_73] {strides = array<i32>} : memref<16384xi32, #tpu.memory_space<vmem>>, vector<16xi32>,
      %gather3A_75 = tpu.vector_load_idx %arg6[%broadcast_in_dim3A_1, %get3A_74] : memref<1x100000xf32, #tpu.memory_space<vmem>>[vector<16xi32>, vector<16xi32>], vector<16xf32>,
      %mul3A_76 = arith.constant 16 : i32
      %mul3A_77 = arith.muli %add3A_68, %mul3A_76 : i32
      %swap3A_78 = arith.constant 0 : i32
      %swap3A_79 = arith.index_cast %swap3A_78 : i32 to index
      %swap3A_80 = arith.index_cast %mul3A_77 : i32 to index
      %swap3A_81 = tpu.vector_load %arg7[%swap3A_79, %swap3A_80] {strides = array<i32>} : memref<1x8192xf32, #tpu.memory_space<vmem>>, vector<16xf32>,
      tpu.vector_store %arg7[%swap3A_79, %swap3A_80], %gather3A_75 {strides = array<i32>} : memref<1x8192xf32, #tpu.memory_space<vmem>>, vector<16xf32>,
      %mul3A_82 = arith.constant 8 : i32
      %mul3A_83 = arith.muli %scan3A_33, %mul3A_82 : i32
      %add3A_84 = arith.constant 3 : i32
      %add3A_85 = arith.addi %mul3A_83, %add3A_84 : i32
      %mul3A_86 = arith.constant 16 : i32
      %mul3A_87 = arith.muli %add3A_85, %mul3A_86 : i32
      %add3A_88 = arith.constant 0 : i32
      %add3A_89 = arith.addi %add3A_88, %mul3A_87 : i32
      %get3A_90 = arith.index_cast %add3A_89 : i32 to index
      %get3A_91 = tpu.vector_load %arg5[%get3A_90] {strides = array<i32>} : memref<16384xi32, #tpu.memory_space<vmem>>, vector<16xi32>,
      %gather3A_92 = tpu.vector_load_idx %arg6[%broadcast_in_dim3A_1, %get3A_91] : memref<1x100000xf32, #tpu.memory_space<vmem>>[vector<16xi32>, vector<16xi32>], vector<16xf32>,
      %mul3A_93 = arith.constant 16 : i32
      %mul3A_94 = arith.muli %add3A_85, %mul3A_93 : i32
      %swap3A_95 = arith.constant 0 : i32
      %swap3A_96 = arith.index_cast %swap3A_95 : i32 to index
      %swap3A_97 = arith.index_cast %mul3A_94 : i32 to index
      %swap3A_98 = tpu.vector_load %arg7[%swap3A_96, %swap3A_97] {strides = array<i32>} : memref<1x8192xf32, #tpu.memory_space<vmem>>, vector<16xf32>,
      tpu.vector_store %arg7[%swap3A_96, %swap3A_97], %gather3A_92 {strides = array<i32>} : memref<1x8192xf32, #tpu.memory_space<vmem>>, vector<16xf32>,
      %mul3A_99 = arith.constant 8 : i32
      %mul3A_100 = arith.muli %scan3A_33, %mul3A_99 : i32
      %add3A_101 = arith.constant 4 : i32
      %add3A_102 = arith.addi %mul3A_100, %add3A_101 : i32
      %mul3A_103 = arith.constant 16 : i32
      %mul3A_104 = arith.muli %add3A_102, %mul3A_103 : i32
      %add3A_105 = arith.constant 0 : i32
      %add3A_106 = arith.addi %add3A_105, %mul3A_104 : i32
      %get3A_107 = arith.index_cast %add3A_106 : i32 to index
      %get3A_108 = tpu.vector_load %arg5[%get3A_107] {strides = array<i32>} : memref<16384xi32, #tpu.memory_space<vmem>>, vector<16xi32>,
      %gather3A_109 = tpu.vector_load_idx %arg6[%broadcast_in_dim3A_1, %get3A_108] : memref<1x100000xf32, #tpu.memory_space<vmem>>[vector<16xi32>, vector<16xi32>], vector<16xf32>,
      %mul3A_110 = arith.constant 16 : i32
      %mul3A_111 = arith.muli %add3A_102, %mul3A_110 : i32
      %swap3A_112 = arith.constant 0 : i32
      %swap3A_113 = arith.index_cast %swap3A_112 : i32 to index
      %swap3A_114 = arith.index_cast %mul3A_111 : i32 to index
      %swap3A_115 = tpu.vector_load %arg7[%swap3A_113, %swap3A_114] {strides = array<i32>} : memref<1x8192xf32, #tpu.memory_space<vmem>>, vector<16xf32>,
      tpu.vector_store %arg7[%swap3A_113, %swap3A_114], %gather3A_109 {strides = array<i32>} : memref<1x8192xf32, #tpu.memory_space<vmem>>, vector<16xf32>,
      %mul3A_116 = arith.constant 8 : i32
      %mul3A_117 = arith.muli %scan3A_33, %mul3A_116 : i32
      %add3A_118 = arith.constant 5 : i32
      %add3A_119 = arith.addi %mul3A_117, %add3A_118 : i32
      %mul3A_120 = arith.constant 16 : i32
      %mul3A_121 = arith.muli %add3A_119, %mul3A_120 : i32
      %add3A_122 = arith.constant 0 : i32
      %add3A_123 = arith.addi %add3A_122, %mul3A_121 : i32
      %get3A_124 = arith.index_cast %add3A_123 : i32 to index
      %get3A_125 = tpu.vector_load %arg5[%get3A_124] {strides = array<i32>} : memref<16384xi32, #tpu.memory_space<vmem>>, vector<16xi32>,
      %gather3A_126 = tpu.vector_load_idx %arg6[%broadcast_in_dim3A_1, %get3A_125] : memref<1x100000xf32, #tpu.memory_space<vmem>>[vector<16xi32>, vector<16xi32>], vector<16xf32>,
      %mul3A_127 = arith.constant 16 : i32
      %mul3A_128 = arith.muli %add3A_119, %mul3A_127 : i32
      %swap3A_129 = arith.constant 0 : i32
      %swap3A_130 = arith.index_cast %swap3A_129 : i32 to index
      %swap3A_131 = arith.index_cast %mul3A_128 : i32 to index
      %swap3A_132 = tpu.vector_load %arg7[%swap3A_130, %swap3A_131] {strides = array<i32>} : memref<1x8192xf32, #tpu.memory_space<vmem>>, vector<16xf32>,
      tpu.vector_store %arg7[%swap3A_130, %swap3A_131], %gather3A_126 {strides = array<i32>} : memref<1x8192xf32, #tpu.memory_space<vmem>>, vector<16xf32>,
      %mul3A_133 = arith.constant 8 : i32
      %mul3A_134 = arith.muli %scan3A_33, %mul3A_133 : i32
      %add3A_135 = arith.constant 6 : i32
      %add3A_136 = arith.addi %mul3A_134, %add3A_135 : i32
      %mul3A_137 = arith.constant 16 : i32
      %mul3A_138 = arith.muli %add3A_136, %mul3A_137 : i32
      %add3A_139 = arith.constant 0 : i32
      %add3A_140 = arith.addi %add3A_139, %mul3A_138 : i32
      %get3A_141 = arith.index_cast %add3A_140 : i32 to index
      %get3A_142 = tpu.vector_load %arg5[%get3A_141] {strides = array<i32>} : memref<16384xi32, #tpu.memory_space<vmem>>, vector<16xi32>,
      %gather3A_143 = tpu.vector_load_idx %arg6[%broadcast_in_dim3A_1, %get3A_142] : memref<1x100000xf32, #tpu.memory_space<vmem>>[vector<16xi32>, vector<16xi32>], vector<16xf32>,
      %mul3A_144 = arith.constant 16 : i32
      %mul3A_145 = arith.muli %add3A_136, %mul3A_144 : i32
      %swap3A_146 = arith.constant 0 : i32
      %swap3A_147 = arith.index_cast %swap3A_146 : i32 to index
      %swap3A_148 = arith.index_cast %mul3A_145 : i32 to index
      %swap3A_149 = tpu.vector_load %arg7[%swap3A_147, %swap3A_148] {strides = array<i32>} : memref<1x8192xf32, #tpu.memory_space<vmem>>, vector<16xf32>,
      tpu.vector_store %arg7[%swap3A_147, %swap3A_148], %gather3A_143 {strides = array<i32>} : memref<1x8192xf32, #tpu.memory_space<vmem>>, vector<16xf32>,
      %mul3A_150 = arith.constant 8 : i32
      %mul3A_151 = arith.muli %scan3A_33, %mul3A_150 : i32
      %add3A_152 = arith.constant 7 : i32
      %add3A_153 = arith.addi %mul3A_151, %add3A_152 : i32
      %mul3A_154 = arith.constant 16 : i32
      %mul3A_155 = arith.muli %add3A_153, %mul3A_154 : i32
      %add3A_156 = arith.constant 0 : i32
      %add3A_157 = arith.addi %add3A_156, %mul3A_155 : i32
      %get3A_158 = arith.index_cast %add3A_157 : i32 to index
      %get3A_159 = tpu.vector_load %arg5[%get3A_158] {strides = array<i32>} : memref<16384xi32, #tpu.memory_space<vmem>>, vector<16xi32>,
      %gather3A_160 = tpu.vector_load_idx %arg6[%broadcast_in_dim3A_1, %get3A_159] : memref<1x100000xf32, #tpu.memory_space<vmem>>[vector<16xi32>, vector<16xi32>], vector<16xf32>,
      %mul3A_161 = arith.constant 16 : i32
      %mul3A_162 = arith.muli %add3A_153, %mul3A_161 : i32
      %swap3A_163 = arith.constant 0 : i32
      %swap3A_164 = arith.index_cast %swap3A_163 : i32 to index
      %swap3A_165 = arith.index_cast %mul3A_162 : i32 to index
      %swap3A_166 = tpu.vector_load %arg7[%swap3A_164, %swap3A_165] {strides = array<i32>} : memref<1x8192xf32, #tpu.memory_space<vmem>>, vector<16xf32>,
      tpu.vector_store %arg7[%swap3A_164, %swap3A_165], %gather3A_160 {strides = array<i32>} : memref<1x8192xf32, #tpu.memory_space<vmem>>, vector<16xf32>,
    }
    %scan3A_10 = arith.constant 64 : i32
    "tpu.region"() ({
      %run_scoped3A = tpu.sem_alloc : memref<!tpu.dma_semaphore, #tpu.memory_space<semaphore_mem>>
      %dma_start3A = arith.constant 0 : i32
      %dma_start3A_33 = tpu.memref_slice %arg4[%add3A_5, %dma_start3A] : memref<64x16384xf32, #tpu.memory_space<hbm>> -> memref<1x8192xf32, #tpu.memory_space<hbm>>
      %dma_start3A_34 = arith.constant 0 : i32
      %dma_start3A_35 = tpu.memref_slice %arg4[%add3A_5, %dma_start3A_34] : memref<64x16384xf32, #tpu.memory_space<hbm>> -> memref<1x8192xf32, #tpu.memory_space<hbm>>
      tpu.enqueue_dma source(%arg7 : memref<1x8192xf32, #tpu.memory_space<vmem>>) target(%dma_start3A_35 : memref<1x8192xf32, #tpu.memory_space<hbm>>) target_semaphore(%run_scoped3A : memref<!tpu.dma_semaphore, #tpu.memory_space<semaphore_mem>>)
      %dma_wait3A = arith.constant 0 : i32
      %dma_wait3A_36 = tpu.memref_slice %arg4[%add3A_5, %dma_wait3A] : memref<64x16384xf32, #tpu.memory_space<hbm>> -> memref<1x8192xf32, #tpu.memory_space<hbm>>
      %dma_wait3A_37 = arith.constant 0 : i32
      %dma_wait3A_38 = tpu.memref_slice %arg4[%add3A_5, %dma_wait3A_37] : memref<64x16384xf32, #tpu.memory_space<hbm>> -> memref<1x8192xf32, #tpu.memory_space<hbm>>
      tpu.wait_dma2 semaphore(%run_scoped3A : memref<!tpu.dma_semaphore, #tpu.memory_space<semaphore_mem>>) src(%arg7 : memref<1x8192xf32, #tpu.memory_space<vmem>>) dst(%dma_wait3A_38 : memref<1x8192xf32, #tpu.memory_space<hbm>>)
      tpu.yield
    }) : () -> ()
    %scan3A_11 = arith.constant 0 : i32
    %scan3A_12 = arith.constant 0 : i32
    %scan3A_13 = arith.constant 64 : i32
    %scan3A_14 = arith.addi %scan3A_12, %scan3A_13 : i32
    %scan3A_15 = arith.constant 1 : i32
    scf.for %scan3A_33 = %scan3A_12 to %scan3A_14 step %scan3A_15  : i32 {
      %mul3A_34 = arith.constant 8 : i32
      %mul3A_35 = arith.muli %scan3A_33, %mul3A_34 : i32
      %add3A_36 = arith.constant 0 : i32
      %add3A_37 = arith.addi %mul3A_35, %add3A_36 : i32
      %mul3A_38 = arith.constant 16 : i32
      %mul3A_39 = arith.muli %add3A_37, %mul3A_38 : i32
      %add3A_40 = arith.constant 8192 : i32
      %add3A_41 = arith.addi %add3A_40, %mul3A_39 : i32
      %get3A = arith.index_cast %add3A_41 : i32 to index
      %get3A_42 = tpu.vector_load %arg5[%get3A] {strides = array<i32>} : memref<16384xi32, #tpu.memory_space<vmem>>, vector<16xi32>,
      %gather3A = tpu.vector_load_idx %arg6[%broadcast_in_dim3A_1, %get3A_42] : memref<1x100000xf32, #tpu.memory_space<vmem>>[vector<16xi32>, vector<16xi32>], vector<16xf32>,
      %mul3A_43 = arith.constant 16 : i32
      %mul3A_44 = arith.muli %add3A_37, %mul3A_43 : i32
      %swap3A = arith.constant 0 : i32
      %swap3A_45 = arith.index_cast %swap3A : i32 to index
      %swap3A_46 = arith.index_cast %mul3A_44 : i32 to index
      %swap3A_47 = tpu.vector_load %arg7[%swap3A_45, %swap3A_46] {strides = array<i32>} : memref<1x8192xf32, #tpu.memory_space<vmem>>, vector<16xf32>,
      tpu.vector_store %arg7[%swap3A_45, %swap3A_46], %gather3A {strides = array<i32>} : memref<1x8192xf32, #tpu.memory_space<vmem>>, vector<16xf32>,
      %mul3A_48 = arith.constant 8 : i32
      %mul3A_49 = arith.muli %scan3A_33, %mul3A_48 : i32
      %add3A_50 = arith.constant 1 : i32
      %add3A_51 = arith.addi %mul3A_49, %add3A_50 : i32
      %mul3A_52 = arith.constant 16 : i32
      %mul3A_53 = arith.muli %add3A_51, %mul3A_52 : i32
      %add3A_54 = arith.constant 8192 : i32
      %add3A_55 = arith.addi %add3A_54, %mul3A_53 : i32
      %get3A_56 = arith.index_cast %add3A_55 : i32 to index
      %get3A_57 = tpu.vector_load %arg5[%get3A_56] {strides = array<i32>} : memref<16384xi32, #tpu.memory_space<vmem>>, vector<16xi32>,
      %gather3A_58 = tpu.vector_load_idx %arg6[%broadcast_in_dim3A_1, %get3A_57] : memref<1x100000xf32, #tpu.memory_space<vmem>>[vector<16xi32>, vector<16xi32>], vector<16xf32>,
      %mul3A_59 = arith.constant 16 : i32
      %mul3A_60 = arith.muli %add3A_51, %mul3A_59 : i32
      %swap3A_61 = arith.constant 0 : i32
      %swap3A_62 = arith.index_cast %swap3A_61 : i32 to index
      %swap3A_63 = arith.index_cast %mul3A_60 : i32 to index
      %swap3A_64 = tpu.vector_load %arg7[%swap3A_62, %swap3A_63] {strides = array<i32>} : memref<1x8192xf32, #tpu.memory_space<vmem>>, vector<16xf32>,
      tpu.vector_store %arg7[%swap3A_62, %swap3A_63], %gather3A_58 {strides = array<i32>} : memref<1x8192xf32, #tpu.memory_space<vmem>>, vector<16xf32>,
      %mul3A_65 = arith.constant 8 : i32
      %mul3A_66 = arith.muli %scan3A_33, %mul3A_65 : i32
      %add3A_67 = arith.constant 2 : i32
      %add3A_68 = arith.addi %mul3A_66, %add3A_67 : i32
      %mul3A_69 = arith.constant 16 : i32
      %mul3A_70 = arith.muli %add3A_68, %mul3A_69 : i32
      %add3A_71 = arith.constant 8192 : i32
      %add3A_72 = arith.addi %add3A_71, %mul3A_70 : i32
      %get3A_73 = arith.index_cast %add3A_72 : i32 to index
      %get3A_74 = tpu.vector_load %arg5[%get3A_73] {strides = array<i32>} : memref<16384xi32, #tpu.memory_space<vmem>>, vector<16xi32>,
      %gather3A_75 = tpu.vector_load_idx %arg6[%broadcast_in_dim3A_1, %get3A_74] : memref<1x100000xf32, #tpu.memory_space<vmem>>[vector<16xi32>, vector<16xi32>], vector<16xf32>,
      %mul3A_76 = arith.constant 16 : i32
      %mul3A_77 = arith.muli %add3A_68, %mul3A_76 : i32
      %swap3A_78 = arith.constant 0 : i32
      %swap3A_79 = arith.index_cast %swap3A_78 : i32 to index
      %swap3A_80 = arith.index_cast %mul3A_77 : i32 to index
      %swap3A_81 = tpu.vector_load %arg7[%swap3A_79, %swap3A_80] {strides = array<i32>} : memref<1x8192xf32, #tpu.memory_space<vmem>>, vector<16xf32>,
      tpu.vector_store %arg7[%swap3A_79, %swap3A_80], %gather3A_75 {strides = array<i32>} : memref<1x8192xf32, #tpu.memory_space<vmem>>, vector<16xf32>,
      %mul3A_82 = arith.constant 8 : i32
      %mul3A_83 = arith.muli %scan3A_33, %mul3A_82 : i32
      %add3A_84 = arith.constant 3 : i32
      %add3A_85 = arith.addi %mul3A_83, %add3A_84 : i32
      %mul3A_86 = arith.constant 16 : i32
      %mul3A_87 = arith.muli %add3A_85, %mul3A_86 : i32
      %add3A_88 = arith.constant 8192 : i32
      %add3A_89 = arith.addi %add3A_88, %mul3A_87 : i32
      %get3A_90 = arith.index_cast %add3A_89 : i32 to index
      %get3A_91 = tpu.vector_load %arg5[%get3A_90] {strides = array<i32>} : memref<16384xi32, #tpu.memory_space<vmem>>, vector<16xi32>,
      %gather3A_92 = tpu.vector_load_idx %arg6[%broadcast_in_dim3A_1, %get3A_91] : memref<1x100000xf32, #tpu.memory_space<vmem>>[vector<16xi32>, vector<16xi32>], vector<16xf32>,
      %mul3A_93 = arith.constant 16 : i32
      %mul3A_94 = arith.muli %add3A_85, %mul3A_93 : i32
      %swap3A_95 = arith.constant 0 : i32
      %swap3A_96 = arith.index_cast %swap3A_95 : i32 to index
      %swap3A_97 = arith.index_cast %mul3A_94 : i32 to index
      %swap3A_98 = tpu.vector_load %arg7[%swap3A_96, %swap3A_97] {strides = array<i32>} : memref<1x8192xf32, #tpu.memory_space<vmem>>, vector<16xf32>,
      tpu.vector_store %arg7[%swap3A_96, %swap3A_97], %gather3A_92 {strides = array<i32>} : memref<1x8192xf32, #tpu.memory_space<vmem>>, vector<16xf32>,
      %mul3A_99 = arith.constant 8 : i32
      %mul3A_100 = arith.muli %scan3A_33, %mul3A_99 : i32
      %add3A_101 = arith.constant 4 : i32
      %add3A_102 = arith.addi %mul3A_100, %add3A_101 : i32
      %mul3A_103 = arith.constant 16 : i32
      %mul3A_104 = arith.muli %add3A_102, %mul3A_103 : i32
      %add3A_105 = arith.constant 8192 : i32
      %add3A_106 = arith.addi %add3A_105, %mul3A_104 : i32
      %get3A_107 = arith.index_cast %add3A_106 : i32 to index
      %get3A_108 = tpu.vector_load %arg5[%get3A_107] {strides = array<i32>} : memref<16384xi32, #tpu.memory_space<vmem>>, vector<16xi32>,
      %gather3A_109 = tpu.vector_load_idx %arg6[%broadcast_in_dim3A_1, %get3A_108] : memref<1x100000xf32, #tpu.memory_space<vmem>>[vector<16xi32>, vector<16xi32>], vector<16xf32>,
      %mul3A_110 = arith.constant 16 : i32
      %mul3A_111 = arith.muli %add3A_102, %mul3A_110 : i32
      %swap3A_112 = arith.constant 0 : i32
      %swap3A_113 = arith.index_cast %swap3A_112 : i32 to index
      %swap3A_114 = arith.index_cast %mul3A_111 : i32 to index
      %swap3A_115 = tpu.vector_load %arg7[%swap3A_113, %swap3A_114] {strides = array<i32>} : memref<1x8192xf32, #tpu.memory_space<vmem>>, vector<16xf32>,
      tpu.vector_store %arg7[%swap3A_113, %swap3A_114], %gather3A_109 {strides = array<i32>} : memref<1x8192xf32, #tpu.memory_space<vmem>>, vector<16xf32>,
      %mul3A_116 = arith.constant 8 : i32
      %mul3A_117 = arith.muli %scan3A_33, %mul3A_116 : i32
      %add3A_118 = arith.constant 5 : i32
      %add3A_119 = arith.addi %mul3A_117, %add3A_118 : i32
      %mul3A_120 = arith.constant 16 : i32
      %mul3A_121 = arith.muli %add3A_119, %mul3A_120 : i32
      %add3A_122 = arith.constant 8192 : i32
      %add3A_123 = arith.addi %add3A_122, %mul3A_121 : i32
      %get3A_124 = arith.index_cast %add3A_123 : i32 to index
      %get3A_125 = tpu.vector_load %arg5[%get3A_124] {strides = array<i32>} : memref<16384xi32, #tpu.memory_space<vmem>>, vector<16xi32>,
      %gather3A_126 = tpu.vector_load_idx %arg6[%broadcast_in_dim3A_1, %get3A_125] : memref<1x100000xf32, #tpu.memory_space<vmem>>[vector<16xi32>, vector<16xi32>], vector<16xf32>,
      %mul3A_127 = arith.constant 16 : i32
      %mul3A_128 = arith.muli %add3A_119, %mul3A_127 : i32
      %swap3A_129 = arith.constant 0 : i32
      %swap3A_130 = arith.index_cast %swap3A_129 : i32 to index
      %swap3A_131 = arith.index_cast %mul3A_128 : i32 to index
      %swap3A_132 = tpu.vector_load %arg7[%swap3A_130, %swap3A_131] {strides = array<i32>} : memref<1x8192xf32, #tpu.memory_space<vmem>>, vector<16xf32>,
      tpu.vector_store %arg7[%swap3A_130, %swap3A_131], %gather3A_126 {strides = array<i32>} : memref<1x8192xf32, #tpu.memory_space<vmem>>, vector<16xf32>,
      %mul3A_133 = arith.constant 8 : i32
      %mul3A_134 = arith.muli %scan3A_33, %mul3A_133 : i32
      %add3A_135 = arith.constant 6 : i32
      %add3A_136 = arith.addi %mul3A_134, %add3A_135 : i32
      %mul3A_137 = arith.constant 16 : i32
      %mul3A_138 = arith.muli %add3A_136, %mul3A_137 : i32
      %add3A_139 = arith.constant 8192 : i32
      %add3A_140 = arith.addi %add3A_139, %mul3A_138 : i32
      %get3A_141 = arith.index_cast %add3A_140 : i32 to index
      %get3A_142 = tpu.vector_load %arg5[%get3A_141] {strides = array<i32>} : memref<16384xi32, #tpu.memory_space<vmem>>, vector<16xi32>,
      %gather3A_143 = tpu.vector_load_idx %arg6[%broadcast_in_dim3A_1, %get3A_142] : memref<1x100000xf32, #tpu.memory_space<vmem>>[vector<16xi32>, vector<16xi32>], vector<16xf32>,
      %mul3A_144 = arith.constant 16 : i32
      %mul3A_145 = arith.muli %add3A_136, %mul3A_144 : i32
      %swap3A_146 = arith.constant 0 : i32
      %swap3A_147 = arith.index_cast %swap3A_146 : i32 to index
      %swap3A_148 = arith.index_cast %mul3A_145 : i32 to index
      %swap3A_149 = tpu.vector_load %arg7[%swap3A_147, %swap3A_148] {strides = array<i32>} : memref<1x8192xf32, #tpu.memory_space<vmem>>, vector<16xf32>,
      tpu.vector_store %arg7[%swap3A_147, %swap3A_148], %gather3A_143 {strides = array<i32>} : memref<1x8192xf32, #tpu.memory_space<vmem>>, vector<16xf32>,
      %mul3A_150 = arith.constant 8 : i32
      %mul3A_151 = arith.muli %scan3A_33, %mul3A_150 : i32
      %add3A_152 = arith.constant 7 : i32
      %add3A_153 = arith.addi %mul3A_151, %add3A_152 : i32
      %mul3A_154 = arith.constant 16 : i32
      %mul3A_155 = arith.muli %add3A_153, %mul3A_154 : i32
      %add3A_156 = arith.constant 8192 : i32
      %add3A_157 = arith.addi %add3A_156, %mul3A_155 : i32
      %get3A_158 = arith.index_cast %add3A_157 : i32 to index
      %get3A_159 = tpu.vector_load %arg5[%get3A_158] {strides = array<i32>} : memref<16384xi32, #tpu.memory_space<vmem>>, vector<16xi32>,
      %gather3A_160 = tpu.vector_load_idx %arg6[%broadcast_in_dim3A_1, %get3A_159] : memref<1x100000xf32, #tpu.memory_space<vmem>>[vector<16xi32>, vector<16xi32>], vector<16xf32>,
      %mul3A_161 = arith.constant 16 : i32
      %mul3A_162 = arith.muli %add3A_153, %mul3A_161 : i32
      %swap3A_163 = arith.constant 0 : i32
      %swap3A_164 = arith.index_cast %swap3A_163 : i32 to index
      %swap3A_165 = arith.index_cast %mul3A_162 : i32 to index
      %swap3A_166 = tpu.vector_load %arg7[%swap3A_164, %swap3A_165] {strides = array<i32>} : memref<1x8192xf32, #tpu.memory_space<vmem>>, vector<16xf32>,
      tpu.vector_store %arg7[%swap3A_164, %swap3A_165], %gather3A_160 {strides = array<i32>} : memref<1x8192xf32, #tpu.memory_space<vmem>>, vector<16xf32>,
    }
    %scan3A_16 = arith.constant 64 : i32
    "tpu.region"() ({
      %run_scoped3A = tpu.sem_alloc : memref<!tpu.dma_semaphore, #tpu.memory_space<semaphore_mem>>
      %dma_start3A = arith.constant 8192 : i32
      %dma_start3A_33 = tpu.memref_slice %arg4[%add3A_5, %dma_start3A] : memref<64x16384xf32, #tpu.memory_space<hbm>> -> memref<1x8192xf32, #tpu.memory_space<hbm>>
      %dma_start3A_34 = arith.constant 8192 : i32
      %dma_start3A_35 = tpu.memref_slice %arg4[%add3A_5, %dma_start3A_34] : memref<64x16384xf32, #tpu.memory_space<hbm>> -> memref<1x8192xf32, #tpu.memory_space<hbm>>
      tpu.enqueue_dma source(%arg7 : memref<1x8192xf32, #tpu.memory_space<vmem>>) target(%dma_start3A_35 : memref<1x8192xf32, #tpu.memory_space<hbm>>) target_semaphore(%run_scoped3A : memref<!tpu.dma_semaphore, #tpu.memory_space<semaphore_mem>>)
      %dma_wait3A = arith.constant 8192 : i32
      %dma_wait3A_36 = tpu.memref_slice %arg4[%add3A_5, %dma_wait3A] : memref<64x16384xf32, #tpu.memory_space<hbm>> -> memref<1x8192xf32, #tpu.memory_space<hbm>>
      %dma_wait3A_37 = arith.constant 8192 : i32
      %dma_wait3A_38 = tpu.memref_slice %arg4[%add3A_5, %dma_wait3A_37] : memref<64x16384xf32, #tpu.memory_space<hbm>> -> memref<1x8192xf32, #tpu.memory_space<hbm>>
      tpu.wait_dma2 semaphore(%run_scoped3A : memref<!tpu.dma_semaphore, #tpu.memory_space<semaphore_mem>>) src(%arg7 : memref<1x8192xf32, #tpu.memory_space<vmem>>) dst(%dma_wait3A_38 : memref<1x8192xf32, #tpu.memory_space<hbm>>)
      tpu.yield
    }) : () -> ()
    %mul3A_17 = arith.constant 2 : i32
    %mul3A_18 = arith.muli %add3A, %mul3A_17 : i32
    %add3A_19 = arith.constant 1 : i32
    %add3A_20 = arith.addi %mul3A_18, %add3A_19 : i32
    "tpu.region"() ({
      %run_scoped3A = tpu.sem_alloc : memref<!tpu.dma_semaphore, #tpu.memory_space<semaphore_mem>>
      %dma_start3A = arith.constant 0 : i32
      %dma_start3A_33 = tpu.memref_slice %arg3[%add3A_20, %dma_start3A] : memref<64x100000xf32, #tpu.memory_space<hbm>> -> memref<1x100000xf32, #tpu.memory_space<hbm>>
      %dma_start3A_34 = arith.constant 0 : i32
      %dma_start3A_35 = tpu.memref_slice %arg3[%add3A_20, %dma_start3A_34] : memref<64x100000xf32, #tpu.memory_space<hbm>> -> memref<1x100000xf32, #tpu.memory_space<hbm>>
      tpu.enqueue_dma source(%dma_start3A_35 : memref<1x100000xf32, #tpu.memory_space<hbm>>) target(%arg6 : memref<1x100000xf32, #tpu.memory_space<vmem>>) target_semaphore(%run_scoped3A : memref<!tpu.dma_semaphore, #tpu.memory_space<semaphore_mem>>)
      %dma_wait3A = arith.constant 0 : i32
      %dma_wait3A_36 = tpu.memref_slice %arg3[%add3A_20, %dma_wait3A] : memref<64x100000xf32, #tpu.memory_space<hbm>> -> memref<1x100000xf32, #tpu.memory_space<hbm>>
      %dma_wait3A_37 = arith.constant 0 : i32
      %dma_wait3A_38 = tpu.memref_slice %arg3[%add3A_20, %dma_wait3A_37] : memref<64x100000xf32, #tpu.memory_space<hbm>> -> memref<1x100000xf32, #tpu.memory_space<hbm>>
      tpu.wait_dma2 semaphore(%run_scoped3A : memref<!tpu.dma_semaphore, #tpu.memory_space<semaphore_mem>>) src(%dma_wait3A_38 : memref<1x100000xf32, #tpu.memory_space<hbm>>) dst(%arg6 : memref<1x100000xf32, #tpu.memory_space<vmem>>)
      tpu.yield
    }) : () -> ()
    %scan3A_21 = arith.constant 0 : i32
    %scan3A_22 = arith.constant 0 : i32
    %scan3A_23 = arith.constant 64 : i32
    %scan3A_24 = arith.addi %scan3A_22, %scan3A_23 : i32
    %scan3A_25 = arith.constant 1 : i32
    scf.for %scan3A_33 = %scan3A_22 to %scan3A_24 step %scan3A_25  : i32 {
      %mul3A_34 = arith.constant 8 : i32
      %mul3A_35 = arith.muli %scan3A_33, %mul3A_34 : i32
      %add3A_36 = arith.constant 0 : i32
      %add3A_37 = arith.addi %mul3A_35, %add3A_36 : i32
      %mul3A_38 = arith.constant 16 : i32
      %mul3A_39 = arith.muli %add3A_37, %mul3A_38 : i32
      %add3A_40 = arith.constant 0 : i32
      %add3A_41 = arith.addi %add3A_40, %mul3A_39 : i32
      %get3A = arith.index_cast %add3A_41 : i32 to index
      %get3A_42 = tpu.vector_load %arg5[%get3A] {strides = array<i32>} : memref<16384xi32, #tpu.memory_space<vmem>>, vector<16xi32>,
      %gather3A = tpu.vector_load_idx %arg6[%broadcast_in_dim3A_1, %get3A_42] : memref<1x100000xf32, #tpu.memory_space<vmem>>[vector<16xi32>, vector<16xi32>], vector<16xf32>,
      %mul3A_43 = arith.constant 16 : i32
      %mul3A_44 = arith.muli %add3A_37, %mul3A_43 : i32
      %swap3A = arith.constant 0 : i32
      %swap3A_45 = arith.index_cast %swap3A : i32 to index
      %swap3A_46 = arith.index_cast %mul3A_44 : i32 to index
      %swap3A_47 = tpu.vector_load %arg7[%swap3A_45, %swap3A_46] {strides = array<i32>} : memref<1x8192xf32, #tpu.memory_space<vmem>>, vector<16xf32>,
      tpu.vector_store %arg7[%swap3A_45, %swap3A_46], %gather3A {strides = array<i32>} : memref<1x8192xf32, #tpu.memory_space<vmem>>, vector<16xf32>,
      %mul3A_48 = arith.constant 8 : i32
      %mul3A_49 = arith.muli %scan3A_33, %mul3A_48 : i32
      %add3A_50 = arith.constant 1 : i32
      %add3A_51 = arith.addi %mul3A_49, %add3A_50 : i32
      %mul3A_52 = arith.constant 16 : i32
      %mul3A_53 = arith.muli %add3A_51, %mul3A_52 : i32
      %add3A_54 = arith.constant 0 : i32
      %add3A_55 = arith.addi %add3A_54, %mul3A_53 : i32
      %get3A_56 = arith.index_cast %add3A_55 : i32 to index
      %get3A_57 = tpu.vector_load %arg5[%get3A_56] {strides = array<i32>} : memref<16384xi32, #tpu.memory_space<vmem>>, vector<16xi32>,
      %gather3A_58 = tpu.vector_load_idx %arg6[%broadcast_in_dim3A_1, %get3A_57] : memref<1x100000xf32, #tpu.memory_space<vmem>>[vector<16xi32>, vector<16xi32>], vector<16xf32>,
      %mul3A_59 = arith.constant 16 : i32
      %mul3A_60 = arith.muli %add3A_51, %mul3A_59 : i32
      %swap3A_61 = arith.constant 0 : i32
      %swap3A_62 = arith.index_cast %swap3A_61 : i32 to index
      %swap3A_63 = arith.index_cast %mul3A_60 : i32 to index
      %swap3A_64 = tpu.vector_load %arg7[%swap3A_62, %swap3A_63] {strides = array<i32>} : memref<1x8192xf32, #tpu.memory_space<vmem>>, vector<16xf32>,
      tpu.vector_store %arg7[%swap3A_62, %swap3A_63], %gather3A_58 {strides = array<i32>} : memref<1x8192xf32, #tpu.memory_space<vmem>>, vector<16xf32>,
      %mul3A_65 = arith.constant 8 : i32
      %mul3A_66 = arith.muli %scan3A_33, %mul3A_65 : i32
      %add3A_67 = arith.constant 2 : i32
      %add3A_68 = arith.addi %mul3A_66, %add3A_67 : i32
      %mul3A_69 = arith.constant 16 : i32
      %mul3A_70 = arith.muli %add3A_68, %mul3A_69 : i32
      %add3A_71 = arith.constant 0 : i32
      %add3A_72 = arith.addi %add3A_71, %mul3A_70 : i32
      %get3A_73 = arith.index_cast %add3A_72 : i32 to index
      %get3A_74 = tpu.vector_load %arg5[%get3A_73] {strides = array<i32>} : memref<16384xi32, #tpu.memory_space<vmem>>, vector<16xi32>,
      %gather3A_75 = tpu.vector_load_idx %arg6[%broadcast_in_dim3A_1, %get3A_74] : memref<1x100000xf32, #tpu.memory_space<vmem>>[vector<16xi32>, vector<16xi32>], vector<16xf32>,
      %mul3A_76 = arith.constant 16 : i32
      %mul3A_77 = arith.muli %add3A_68, %mul3A_76 : i32
      %swap3A_78 = arith.constant 0 : i32
      %swap3A_79 = arith.index_cast %swap3A_78 : i32 to index
      %swap3A_80 = arith.index_cast %mul3A_77 : i32 to index
      %swap3A_81 = tpu.vector_load %arg7[%swap3A_79, %swap3A_80] {strides = array<i32>} : memref<1x8192xf32, #tpu.memory_space<vmem>>, vector<16xf32>,
      tpu.vector_store %arg7[%swap3A_79, %swap3A_80], %gather3A_75 {strides = array<i32>} : memref<1x8192xf32, #tpu.memory_space<vmem>>, vector<16xf32>,
      %mul3A_82 = arith.constant 8 : i32
      %mul3A_83 = arith.muli %scan3A_33, %mul3A_82 : i32
      %add3A_84 = arith.constant 3 : i32
      %add3A_85 = arith.addi %mul3A_83, %add3A_84 : i32
      %mul3A_86 = arith.constant 16 : i32
      %mul3A_87 = arith.muli %add3A_85, %mul3A_86 : i32
      %add3A_88 = arith.constant 0 : i32
      %add3A_89 = arith.addi %add3A_88, %mul3A_87 : i32
      %get3A_90 = arith.index_cast %add3A_89 : i32 to index
      %get3A_91 = tpu.vector_load %arg5[%get3A_90] {strides = array<i32>} : memref<16384xi32, #tpu.memory_space<vmem>>, vector<16xi32>,
      %gather3A_92 = tpu.vector_load_idx %arg6[%broadcast_in_dim3A_1, %get3A_91] : memref<1x100000xf32, #tpu.memory_space<vmem>>[vector<16xi32>, vector<16xi32>], vector<16xf32>,
      %mul3A_93 = arith.constant 16 : i32
      %mul3A_94 = arith.muli %add3A_85, %mul3A_93 : i32
      %swap3A_95 = arith.constant 0 : i32
      %swap3A_96 = arith.index_cast %swap3A_95 : i32 to index
      %swap3A_97 = arith.index_cast %mul3A_94 : i32 to index
      %swap3A_98 = tpu.vector_load %arg7[%swap3A_96, %swap3A_97] {strides = array<i32>} : memref<1x8192xf32, #tpu.memory_space<vmem>>, vector<16xf32>,
      tpu.vector_store %arg7[%swap3A_96, %swap3A_97], %gather3A_92 {strides = array<i32>} : memref<1x8192xf32, #tpu.memory_space<vmem>>, vector<16xf32>,
      %mul3A_99 = arith.constant 8 : i32
      %mul3A_100 = arith.muli %scan3A_33, %mul3A_99 : i32
      %add3A_101 = arith.constant 4 : i32
      %add3A_102 = arith.addi %mul3A_100, %add3A_101 : i32
      %mul3A_103 = arith.constant 16 : i32
      %mul3A_104 = arith.muli %add3A_102, %mul3A_103 : i32
      %add3A_105 = arith.constant 0 : i32
      %add3A_106 = arith.addi %add3A_105, %mul3A_104 : i32
      %get3A_107 = arith.index_cast %add3A_106 : i32 to index
      %get3A_108 = tpu.vector_load %arg5[%get3A_107] {strides = array<i32>} : memref<16384xi32, #tpu.memory_space<vmem>>, vector<16xi32>,
      %gather3A_109 = tpu.vector_load_idx %arg6[%broadcast_in_dim3A_1, %get3A_108] : memref<1x100000xf32, #tpu.memory_space<vmem>>[vector<16xi32>, vector<16xi32>], vector<16xf32>,
      %mul3A_110 = arith.constant 16 : i32
      %mul3A_111 = arith.muli %add3A_102, %mul3A_110 : i32
      %swap3A_112 = arith.constant 0 : i32
      %swap3A_113 = arith.index_cast %swap3A_112 : i32 to index
      %swap3A_114 = arith.index_cast %mul3A_111 : i32 to index
      %swap3A_115 = tpu.vector_load %arg7[%swap3A_113, %swap3A_114] {strides = array<i32>} : memref<1x8192xf32, #tpu.memory_space<vmem>>, vector<16xf32>,
      tpu.vector_store %arg7[%swap3A_113, %swap3A_114], %gather3A_109 {strides = array<i32>} : memref<1x8192xf32, #tpu.memory_space<vmem>>, vector<16xf32>,
      %mul3A_116 = arith.constant 8 : i32
      %mul3A_117 = arith.muli %scan3A_33, %mul3A_116 : i32
      %add3A_118 = arith.constant 5 : i32
      %add3A_119 = arith.addi %mul3A_117, %add3A_118 : i32
      %mul3A_120 = arith.constant 16 : i32
      %mul3A_121 = arith.muli %add3A_119, %mul3A_120 : i32
      %add3A_122 = arith.constant 0 : i32
      %add3A_123 = arith.addi %add3A_122, %mul3A_121 : i32
      %get3A_124 = arith.index_cast %add3A_123 : i32 to index
      %get3A_125 = tpu.vector_load %arg5[%get3A_124] {strides = array<i32>} : memref<16384xi32, #tpu.memory_space<vmem>>, vector<16xi32>,
      %gather3A_126 = tpu.vector_load_idx %arg6[%broadcast_in_dim3A_1, %get3A_125] : memref<1x100000xf32, #tpu.memory_space<vmem>>[vector<16xi32>, vector<16xi32>], vector<16xf32>,
      %mul3A_127 = arith.constant 16 : i32
      %mul3A_128 = arith.muli %add3A_119, %mul3A_127 : i32
      %swap3A_129 = arith.constant 0 : i32
      %swap3A_130 = arith.index_cast %swap3A_129 : i32 to index
      %swap3A_131 = arith.index_cast %mul3A_128 : i32 to index
      %swap3A_132 = tpu.vector_load %arg7[%swap3A_130, %swap3A_131] {strides = array<i32>} : memref<1x8192xf32, #tpu.memory_space<vmem>>, vector<16xf32>,
      tpu.vector_store %arg7[%swap3A_130, %swap3A_131], %gather3A_126 {strides = array<i32>} : memref<1x8192xf32, #tpu.memory_space<vmem>>, vector<16xf32>,
      %mul3A_133 = arith.constant 8 : i32
      %mul3A_134 = arith.muli %scan3A_33, %mul3A_133 : i32
      %add3A_135 = arith.constant 6 : i32
      %add3A_136 = arith.addi %mul3A_134, %add3A_135 : i32
      %mul3A_137 = arith.constant 16 : i32
      %mul3A_138 = arith.muli %add3A_136, %mul3A_137 : i32
      %add3A_139 = arith.constant 0 : i32
      %add3A_140 = arith.addi %add3A_139, %mul3A_138 : i32
      %get3A_141 = arith.index_cast %add3A_140 : i32 to index
      %get3A_142 = tpu.vector_load %arg5[%get3A_141] {strides = array<i32>} : memref<16384xi32, #tpu.memory_space<vmem>>, vector<16xi32>,
      %gather3A_143 = tpu.vector_load_idx %arg6[%broadcast_in_dim3A_1, %get3A_142] : memref<1x100000xf32, #tpu.memory_space<vmem>>[vector<16xi32>, vector<16xi32>], vector<16xf32>,
      %mul3A_144 = arith.constant 16 : i32
      %mul3A_145 = arith.muli %add3A_136, %mul3A_144 : i32
      %swap3A_146 = arith.constant 0 : i32
      %swap3A_147 = arith.index_cast %swap3A_146 : i32 to index
      %swap3A_148 = arith.index_cast %mul3A_145 : i32 to index
      %swap3A_149 = tpu.vector_load %arg7[%swap3A_147, %swap3A_148] {strides = array<i32>} : memref<1x8192xf32, #tpu.memory_space<vmem>>, vector<16xf32>,
      tpu.vector_store %arg7[%swap3A_147, %swap3A_148], %gather3A_143 {strides = array<i32>} : memref<1x8192xf32, #tpu.memory_space<vmem>>, vector<16xf32>,
      %mul3A_150 = arith.constant 8 : i32
      %mul3A_151 = arith.muli %scan3A_33, %mul3A_150 : i32
      %add3A_152 = arith.constant 7 : i32
      %add3A_153 = arith.addi %mul3A_151, %add3A_152 : i32
      %mul3A_154 = arith.constant 16 : i32
      %mul3A_155 = arith.muli %add3A_153, %mul3A_154 : i32
      %add3A_156 = arith.constant 0 : i32
      %add3A_157 = arith.addi %add3A_156, %mul3A_155 : i32
      %get3A_158 = arith.index_cast %add3A_157 : i32 to index
      %get3A_159 = tpu.vector_load %arg5[%get3A_158] {strides = array<i32>} : memref<16384xi32, #tpu.memory_space<vmem>>, vector<16xi32>,
      %gather3A_160 = tpu.vector_load_idx %arg6[%broadcast_in_dim3A_1, %get3A_159] : memref<1x100000xf32, #tpu.memory_space<vmem>>[vector<16xi32>, vector<16xi32>], vector<16xf32>,
      %mul3A_161 = arith.constant 16 : i32
      %mul3A_162 = arith.muli %add3A_153, %mul3A_161 : i32
      %swap3A_163 = arith.constant 0 : i32
      %swap3A_164 = arith.index_cast %swap3A_163 : i32 to index
      %swap3A_165 = arith.index_cast %mul3A_162 : i32 to index
      %swap3A_166 = tpu.vector_load %arg7[%swap3A_164, %swap3A_165] {strides = array<i32>} : memref<1x8192xf32, #tpu.memory_space<vmem>>, vector<16xf32>,
      tpu.vector_store %arg7[%swap3A_164, %swap3A_165], %gather3A_160 {strides = array<i32>} : memref<1x8192xf32, #tpu.memory_space<vmem>>, vector<16xf32>,
    }
    %scan3A_26 = arith.constant 64 : i32
    "tpu.region"() ({
      %run_scoped3A = tpu.sem_alloc : memref<!tpu.dma_semaphore, #tpu.memory_space<semaphore_mem>>
      %dma_start3A = arith.constant 0 : i32
      %dma_start3A_33 = tpu.memref_slice %arg4[%add3A_20, %dma_start3A] : memref<64x16384xf32, #tpu.memory_space<hbm>> -> memref<1x8192xf32, #tpu.memory_space<hbm>>
      %dma_start3A_34 = arith.constant 0 : i32
      %dma_start3A_35 = tpu.memref_slice %arg4[%add3A_20, %dma_start3A_34] : memref<64x16384xf32, #tpu.memory_space<hbm>> -> memref<1x8192xf32, #tpu.memory_space<hbm>>
      tpu.enqueue_dma source(%arg7 : memref<1x8192xf32, #tpu.memory_space<vmem>>) target(%dma_start3A_35 : memref<1x8192xf32, #tpu.memory_space<hbm>>) target_semaphore(%run_scoped3A : memref<!tpu.dma_semaphore, #tpu.memory_space<semaphore_mem>>)
      %dma_wait3A = arith.constant 0 : i32
      %dma_wait3A_36 = tpu.memref_slice %arg4[%add3A_20, %dma_wait3A] : memref<64x16384xf32, #tpu.memory_space<hbm>> -> memref<1x8192xf32, #tpu.memory_space<hbm>>
      %dma_wait3A_37 = arith.constant 0 : i32
      %dma_wait3A_38 = tpu.memref_slice %arg4[%add3A_20, %dma_wait3A_37] : memref<64x16384xf32, #tpu.memory_space<hbm>> -> memref<1x8192xf32, #tpu.memory_space<hbm>>
      tpu.wait_dma2 semaphore(%run_scoped3A : memref<!tpu.dma_semaphore, #tpu.memory_space<semaphore_mem>>) src(%arg7 : memref<1x8192xf32, #tpu.memory_space<vmem>>) dst(%dma_wait3A_38 : memref<1x8192xf32, #tpu.memory_space<hbm>>)
      tpu.yield
    }) : () -> ()
    %scan3A_27 = arith.constant 0 : i32
    %scan3A_28 = arith.constant 0 : i32
    %scan3A_29 = arith.constant 64 : i32
    %scan3A_30 = arith.addi %scan3A_28, %scan3A_29 : i32
    %scan3A_31 = arith.constant 1 : i32
    scf.for %scan3A_33 = %scan3A_28 to %scan3A_30 step %scan3A_31  : i32 {
      %mul3A_34 = arith.constant 8 : i32
      %mul3A_35 = arith.muli %scan3A_33, %mul3A_34 : i32
      %add3A_36 = arith.constant 0 : i32
      %add3A_37 = arith.addi %mul3A_35, %add3A_36 : i32
      %mul3A_38 = arith.constant 16 : i32
      %mul3A_39 = arith.muli %add3A_37, %mul3A_38 : i32
      %add3A_40 = arith.constant 8192 : i32
      %add3A_41 = arith.addi %add3A_40, %mul3A_39 : i32
      %get3A = arith.index_cast %add3A_41 : i32 to index
      %get3A_42 = tpu.vector_load %arg5[%get3A] {strides = array<i32>} : memref<16384xi32, #tpu.memory_space<vmem>>, vector<16xi32>,
      %gather3A = tpu.vector_load_idx %arg6[%broadcast_in_dim3A_1, %get3A_42] : memref<1x100000xf32, #tpu.memory_space<vmem>>[vector<16xi32>, vector<16xi32>], vector<16xf32>,
      %mul3A_43 = arith.constant 16 : i32
      %mul3A_44 = arith.muli %add3A_37, %mul3A_43 : i32
      %swap3A = arith.constant 0 : i32
      %swap3A_45 = arith.index_cast %swap3A : i32 to index
      %swap3A_46 = arith.index_cast %mul3A_44 : i32 to index
      %swap3A_47 = tpu.vector_load %arg7[%swap3A_45, %swap3A_46] {strides = array<i32>} : memref<1x8192xf32, #tpu.memory_space<vmem>>, vector<16xf32>,
      tpu.vector_store %arg7[%swap3A_45, %swap3A_46], %gather3A {strides = array<i32>} : memref<1x8192xf32, #tpu.memory_space<vmem>>, vector<16xf32>,
      %mul3A_48 = arith.constant 8 : i32
      %mul3A_49 = arith.muli %scan3A_33, %mul3A_48 : i32
      %add3A_50 = arith.constant 1 : i32
      %add3A_51 = arith.addi %mul3A_49, %add3A_50 : i32
      %mul3A_52 = arith.constant 16 : i32
      %mul3A_53 = arith.muli %add3A_51, %mul3A_52 : i32
      %add3A_54 = arith.constant 8192 : i32
      %add3A_55 = arith.addi %add3A_54, %mul3A_53 : i32
      %get3A_56 = arith.index_cast %add3A_55 : i32 to index
      %get3A_57 = tpu.vector_load %arg5[%get3A_56] {strides = array<i32>} : memref<16384xi32, #tpu.memory_space<vmem>>, vector<16xi32>,
      %gather3A_58 = tpu.vector_load_idx %arg6[%broadcast_in_dim3A_1, %get3A_57] : memref<1x100000xf32, #tpu.memory_space<vmem>>[vector<16xi32>, vector<16xi32>], vector<16xf32>,
      %mul3A_59 = arith.constant 16 : i32
      %mul3A_60 = arith.muli %add3A_51, %mul3A_59 : i32
      %swap3A_61 = arith.constant 0 : i32
      %swap3A_62 = arith.index_cast %swap3A_61 : i32 to index
      %swap3A_63 = arith.index_cast %mul3A_60 : i32 to index
      %swap3A_64 = tpu.vector_load %arg7[%swap3A_62, %swap3A_63] {strides = array<i32>} : memref<1x8192xf32, #tpu.memory_space<vmem>>, vector<16xf32>,
      tpu.vector_store %arg7[%swap3A_62, %swap3A_63], %gather3A_58 {strides = array<i32>} : memref<1x8192xf32, #tpu.memory_space<vmem>>, vector<16xf32>,
      %mul3A_65 = arith.constant 8 : i32
      %mul3A_66 = arith.muli %scan3A_33, %mul3A_65 : i32
      %add3A_67 = arith.constant 2 : i32
      %add3A_68 = arith.addi %mul3A_66, %add3A_67 : i32
      %mul3A_69 = arith.constant 16 : i32
      %mul3A_70 = arith.muli %add3A_68, %mul3A_69 : i32
      %add3A_71 = arith.constant 8192 : i32
      %add3A_72 = arith.addi %add3A_71, %mul3A_70 : i32
      %get3A_73 = arith.index_cast %add3A_72 : i32 to index
      %get3A_74 = tpu.vector_load %arg5[%get3A_73] {strides = array<i32>} : memref<16384xi32, #tpu.memory_space<vmem>>, vector<16xi32>,
      %gather3A_75 = tpu.vector_load_idx %arg6[%broadcast_in_dim3A_1, %get3A_74] : memref<1x100000xf32, #tpu.memory_space<vmem>>[vector<16xi32>, vector<16xi32>], vector<16xf32>,
      %mul3A_76 = arith.constant 16 : i32
      %mul3A_77 = arith.muli %add3A_68, %mul3A_76 : i32
      %swap3A_78 = arith.constant 0 : i32
      %swap3A_79 = arith.index_cast %swap3A_78 : i32 to index
      %swap3A_80 = arith.index_cast %mul3A_77 : i32 to index
      %swap3A_81 = tpu.vector_load %arg7[%swap3A_79, %swap3A_80] {strides = array<i32>} : memref<1x8192xf32, #tpu.memory_space<vmem>>, vector<16xf32>,
      tpu.vector_store %arg7[%swap3A_79, %swap3A_80], %gather3A_75 {strides = array<i32>} : memref<1x8192xf32, #tpu.memory_space<vmem>>, vector<16xf32>,
      %mul3A_82 = arith.constant 8 : i32
      %mul3A_83 = arith.muli %scan3A_33, %mul3A_82 : i32
      %add3A_84 = arith.constant 3 : i32
      %add3A_85 = arith.addi %mul3A_83, %add3A_84 : i32
      %mul3A_86 = arith.constant 16 : i32
      %mul3A_87 = arith.muli %add3A_85, %mul3A_86 : i32
      %add3A_88 = arith.constant 8192 : i32
      %add3A_89 = arith.addi %add3A_88, %mul3A_87 : i32
      %get3A_90 = arith.index_cast %add3A_89 : i32 to index
      %get3A_91 = tpu.vector_load %arg5[%get3A_90] {strides = array<i32>} : memref<16384xi32, #tpu.memory_space<vmem>>, vector<16xi32>,
      %gather3A_92 = tpu.vector_load_idx %arg6[%broadcast_in_dim3A_1, %get3A_91] : memref<1x100000xf32, #tpu.memory_space<vmem>>[vector<16xi32>, vector<16xi32>], vector<16xf32>,
      %mul3A_93 = arith.constant 16 : i32
      %mul3A_94 = arith.muli %add3A_85, %mul3A_93 : i32
      %swap3A_95 = arith.constant 0 : i32
      %swap3A_96 = arith.index_cast %swap3A_95 : i32 to index
      %swap3A_97 = arith.index_cast %mul3A_94 : i32 to index
      %swap3A_98 = tpu.vector_load %arg7[%swap3A_96, %swap3A_97] {strides = array<i32>} : memref<1x8192xf32, #tpu.memory_space<vmem>>, vector<16xf32>,
      tpu.vector_store %arg7[%swap3A_96, %swap3A_97], %gather3A_92 {strides = array<i32>} : memref<1x8192xf32, #tpu.memory_space<vmem>>, vector<16xf32>,
      %mul3A_99 = arith.constant 8 : i32
      %mul3A_100 = arith.muli %scan3A_33, %mul3A_99 : i32
      %add3A_101 = arith.constant 4 : i32
      %add3A_102 = arith.addi %mul3A_100, %add3A_101 : i32
      %mul3A_103 = arith.constant 16 : i32
      %mul3A_104 = arith.muli %add3A_102, %mul3A_103 : i32
      %add3A_105 = arith.constant 8192 : i32
      %add3A_106 = arith.addi %add3A_105, %mul3A_104 : i32
      %get3A_107 = arith.index_cast %add3A_106 : i32 to index
      %get3A_108 = tpu.vector_load %arg5[%get3A_107] {strides = array<i32>} : memref<16384xi32, #tpu.memory_space<vmem>>, vector<16xi32>,
      %gather3A_109 = tpu.vector_load_idx %arg6[%broadcast_in_dim3A_1, %get3A_108] : memref<1x100000xf32, #tpu.memory_space<vmem>>[vector<16xi32>, vector<16xi32>], vector<16xf32>,
      %mul3A_110 = arith.constant 16 : i32
      %mul3A_111 = arith.muli %add3A_102, %mul3A_110 : i32
      %swap3A_112 = arith.constant 0 : i32
      %swap3A_113 = arith.index_cast %swap3A_112 : i32 to index
      %swap3A_114 = arith.index_cast %mul3A_111 : i32 to index
      %swap3A_115 = tpu.vector_load %arg7[%swap3A_113, %swap3A_114] {strides = array<i32>} : memref<1x8192xf32, #tpu.memory_space<vmem>>, vector<16xf32>,
      tpu.vector_store %arg7[%swap3A_113, %swap3A_114], %gather3A_109 {strides = array<i32>} : memref<1x8192xf32, #tpu.memory_space<vmem>>, vector<16xf32>,
      %mul3A_116 = arith.constant 8 : i32
      %mul3A_117 = arith.muli %scan3A_33, %mul3A_116 : i32
      %add3A_118 = arith.constant 5 : i32
      %add3A_119 = arith.addi %mul3A_117, %add3A_118 : i32
      %mul3A_120 = arith.constant 16 : i32
      %mul3A_121 = arith.muli %add3A_119, %mul3A_120 : i32
      %add3A_122 = arith.constant 8192 : i32
      %add3A_123 = arith.addi %add3A_122, %mul3A_121 : i32
      %get3A_124 = arith.index_cast %add3A_123 : i32 to index
      %get3A_125 = tpu.vector_load %arg5[%get3A_124] {strides = array<i32>} : memref<16384xi32, #tpu.memory_space<vmem>>, vector<16xi32>,
      %gather3A_126 = tpu.vector_load_idx %arg6[%broadcast_in_dim3A_1, %get3A_125] : memref<1x100000xf32, #tpu.memory_space<vmem>>[vector<16xi32>, vector<16xi32>], vector<16xf32>,
      %mul3A_127 = arith.constant 16 : i32
      %mul3A_128 = arith.muli %add3A_119, %mul3A_127 : i32
      %swap3A_129 = arith.constant 0 : i32
      %swap3A_130 = arith.index_cast %swap3A_129 : i32 to index
      %swap3A_131 = arith.index_cast %mul3A_128 : i32 to index
      %swap3A_132 = tpu.vector_load %arg7[%swap3A_130, %swap3A_131] {strides = array<i32>} : memref<1x8192xf32, #tpu.memory_space<vmem>>, vector<16xf32>,
      tpu.vector_store %arg7[%swap3A_130, %swap3A_131], %gather3A_126 {strides = array<i32>} : memref<1x8192xf32, #tpu.memory_space<vmem>>, vector<16xf32>,
      %mul3A_133 = arith.constant 8 : i32
      %mul3A_134 = arith.muli %scan3A_33, %mul3A_133 : i32
      %add3A_135 = arith.constant 6 : i32
      %add3A_136 = arith.addi %mul3A_134, %add3A_135 : i32
      %mul3A_137 = arith.constant 16 : i32
      %mul3A_138 = arith.muli %add3A_136, %mul3A_137 : i32
      %add3A_139 = arith.constant 8192 : i32
      %add3A_140 = arith.addi %add3A_139, %mul3A_138 : i32
      %get3A_141 = arith.index_cast %add3A_140 : i32 to index
      %get3A_142 = tpu.vector_load %arg5[%get3A_141] {strides = array<i32>} : memref<16384xi32, #tpu.memory_space<vmem>>, vector<16xi32>,
      %gather3A_143 = tpu.vector_load_idx %arg6[%broadcast_in_dim3A_1, %get3A_142] : memref<1x100000xf32, #tpu.memory_space<vmem>>[vector<16xi32>, vector<16xi32>], vector<16xf32>,
      %mul3A_144 = arith.constant 16 : i32
      %mul3A_145 = arith.muli %add3A_136, %mul3A_144 : i32
      %swap3A_146 = arith.constant 0 : i32
      %swap3A_147 = arith.index_cast %swap3A_146 : i32 to index
      %swap3A_148 = arith.index_cast %mul3A_145 : i32 to index
      %swap3A_149 = tpu.vector_load %arg7[%swap3A_147, %swap3A_148] {strides = array<i32>} : memref<1x8192xf32, #tpu.memory_space<vmem>>, vector<16xf32>,
      tpu.vector_store %arg7[%swap3A_147, %swap3A_148], %gather3A_143 {strides = array<i32>} : memref<1x8192xf32, #tpu.memory_space<vmem>>, vector<16xf32>,
      %mul3A_150 = arith.constant 8 : i32
      %mul3A_151 = arith.muli %scan3A_33, %mul3A_150 : i32
      %add3A_152 = arith.constant 7 : i32
      %add3A_153 = arith.addi %mul3A_151, %add3A_152 : i32
      %mul3A_154 = arith.constant 16 : i32
      %mul3A_155 = arith.muli %add3A_153, %mul3A_154 : i32
      %add3A_156 = arith.constant 8192 : i32
      %add3A_157 = arith.addi %add3A_156, %mul3A_155 : i32
      %get3A_158 = arith.index_cast %add3A_157 : i32 to index
      %get3A_159 = tpu.vector_load %arg5[%get3A_158] {strides = array<i32>} : memref<16384xi32, #tpu.memory_space<vmem>>, vector<16xi32>,
      %gather3A_160 = tpu.vector_load_idx %arg6[%broadcast_in_dim3A_1, %get3A_159] : memref<1x100000xf32, #tpu.memory_space<vmem>>[vector<16xi32>, vector<16xi32>], vector<16xf32>,
      %mul3A_161 = arith.constant 16 : i32
      %mul3A_162 = arith.muli %add3A_153, %mul3A_161 : i32
      %swap3A_163 = arith.constant 0 : i32
      %swap3A_164 = arith.index_cast %swap3A_163 : i32 to index
      %swap3A_165 = arith.index_cast %mul3A_162 : i32 to index
      %swap3A_166 = tpu.vector_load %arg7[%swap3A_164, %swap3A_165] {strides = array<i32>} : memref<1x8192xf32, #tpu.memory_space<vmem>>, vector<16xf32>,
      tpu.vector_store %arg7[%swap3A_164, %swap3A_165], %gather3A_160 {strides = array<i32>} : memref<1x8192xf32, #tpu.memory_space<vmem>>, vector<16xf32>,
    }
    %scan3A_32 = arith.constant 64 : i32
    "tpu.region"() ({
      %run_scoped3A = tpu.sem_alloc : memref<!tpu.dma_semaphore, #tpu.memory_space<semaphore_mem>>
      %dma_start3A = arith.constant 8192 : i32
      %dma_start3A_33 = tpu.memref_slice %arg4[%add3A_20, %dma_start3A] : memref<64x16384xf32, #tpu.memory_space<hbm>> -> memref<1x8192xf32, #tpu.memory_space<hbm>>
      %dma_start3A_34 = arith.constant 8192 : i32
      %dma_start3A_35 = tpu.memref_slice %arg4[%add3A_20, %dma_start3A_34] : memref<64x16384xf32, #tpu.memory_space<hbm>> -> memref<1x8192xf32, #tpu.memory_space<hbm>>
      tpu.enqueue_dma source(%arg7 : memref<1x8192xf32, #tpu.memory_space<vmem>>) target(%dma_start3A_35 : memref<1x8192xf32, #tpu.memory_space<hbm>>) target_semaphore(%run_scoped3A : memref<!tpu.dma_semaphore, #tpu.memory_space<semaphore_mem>>)
      %dma_wait3A = arith.constant 8192 : i32
      %dma_wait3A_36 = tpu.memref_slice %arg4[%add3A_20, %dma_wait3A] : memref<64x16384xf32, #tpu.memory_space<hbm>> -> memref<1x8192xf32, #tpu.memory_space<hbm>>
      %dma_wait3A_37 = arith.constant 8192 : i32
      %dma_wait3A_38 = tpu.memref_slice %arg4[%add3A_20, %dma_wait3A_37] : memref<64x16384xf32, #tpu.memory_space<hbm>> -> memref<1x8192xf32, #tpu.memory_space<hbm>>
      tpu.wait_dma2 semaphore(%run_scoped3A : memref<!tpu.dma_semaphore, #tpu.memory_space<semaphore_mem>>) src(%arg7 : memref<1x8192xf32, #tpu.memory_space<vmem>>) dst(%dma_wait3A_38 : memref<1x8192xf32, #tpu.memory_space<hbm>>)
      tpu.yield
    }) : () -> ()
    return
  }
}

</mosaic_0001>

<sc_bundles>
// kernel: kernel.3.cloned.1.call-start
scs
__scs_entry_jumppad:
0x0: {  	(pc) =	sbr.rel $0x88, $3  }
0x1: {  	(tag) =	ssettag $0x0;
	lr =	simm.s32 $0x1  }
0x2: {  	[smem:$0x3F9F] =	sst lr;
	_ =	strace $0xD0000000  }
0x3: {  	_ = 	snop  }
0x4: {  	_ = 	snop  }
0x5: {  	_ = 	snop  }
0x6: {  	_ = 	snop  }
0x7: {  	_ = 	snop  }
__scs_overlays_trampoline_lowered:
0x8: {  	[smem:$0x3FAE] =	sst s0  }
0x9: {  	[smem:$0x3FAF] =	sst s1  }
0xa: {  	[smem:$0x3FB0] =	sst s2  }
0xb: {  	[smem:$0x3FB1] =	sst s3  }
0xc: {  	[smem:$0x3FB2] =	sst s4  }
0xd: {  	[smem:$0x3FB3] =	sst s5  }
0xe: {  	[smem:$0x3FB4] =	sst s6  }
0xf: {  	[smem:$0x3FB5] =	sst s7  }
0x10: {  	[smem:$0x3FB6] =	sst s8  }
0x11: {  	[smem:$0x3FB7] =	sst s9;
	s0 =	simm.s32 @!p0 $0x0  }
0x12: {  	s1 =	sld [smem:$0x3F9D];
	s0 =	simm.s32 @p0 $0x1  }
0x13: {  	[smem:$0x3FB8] =	sst s0;
	s0 =	simm.s32 @!p1 $0x0  }
0x14: {  	s2 =	sld [smem:$0x3F9C];
	s0 =	simm.s32 @p1 $0x1  }
0x15: {  	[smem:$0x3FB9] =	sst s0;
	s0 =	simm.s32 @!p2 $0x0  }
0x16: {  	s3 =	sld [smem:$0x3FDB];
	s0 =	simm.s32 @p2 $0x1  }
0x17: {  	s4 =	simm.s32 $0x1BF5;
	[smem:$0x3FBB] =	sst s0  }
0x18: {  	s0 =	sld [smem:$0x3F9E];
	_ =	swait.ge [sflag:s4], $0x0  }
0x19: {  	s7 =	sld [smem:$0x3F9F]  }
0x1a: {  	s8 =	sadd.s32 $0xFFFFE003, lr  }
0x1b: {  	s9 =	sadd.s32 $0xFFFFFEF7, lr;
	s5 =	simm.s32 $0xFFFFFFFF;
	p2 =	slt.u32 s8, $0xFFFFF086  }
0x1c: {  	p1 =	slt.u32 s9, $0xF7A;
	s5 =	simm.s32 @!p2 $0x0  }
0x1d: {  	s5 =	simm.s32 @p1 $0x1;
	p0 =	seq.s32 s7, s2  }
0x1e: {  	s7 =	smul.u32 @!p0 $0xF7A, s2;
	p2 =	seq.s32 @!p0 s5, $0x0  }
0x1f: {  	s9 =	smul.u32 $0xF7A, s1;
	s8 =	simm.s32 @!p0 $0x1BF5;
	p2 =	por !p2, p0  }
0x20: {  	[sflag:s8] =	ssyncset.s32 @!p0 $0xFFFFF086;
	s6 =	sadd.s32 @!p0 s3, s7;
	s7 =	simm.s32 @!p0 $0x108  }
0x21: {  	s3 =	sadd.s32 s3, s9;
	s6 =	sadd.s32 @!p0 $0x88, s6;
	s7 =	simm.s32 @p2 $0x1082  }
0x22: {  	[simem:s7], [sflag:s8] =	dma.local @!p0 [hbm:s6], $0xF7A  }
0x23: {  	s9 =	sor.u32 $0xD0000000, s2;
	s6 =	simm.s32 $0x108;
	_ =	swait.ge @!p0 [sflag:s8], $0x0  }
0x24: {  	s3 =	sadd.s32 $0x88, s3;
	s6 =	simm.s32 @!p1 $0x1082;
	[sflag:s4] =	ssyncset.s32 $0xFFFFF086  }
0x25: {  	[simem:s6], [sflag:s4] =	dma.local [hbm:s3], $0xF7A  }
0x26: {  	[smem:$0x3F9F] =	sst s1;
	(tag) =	ssettag s2;
	_ =	strace s9  }
0x27: {  	s1 =	sld [smem:$0x3FAF]  }
0x28: {  	s2 =	sld [smem:$0x3FB0]  }
0x29: {  	s4 =	sld [smem:$0x3FB2]  }
0x2a: {  	p0 =	seq.s32 s5, $0x0;
	s5 =	sld [smem:$0x3FB3]  }
0x2b: {  	s6 =	sld [smem:$0x3FB4]  }
0x2c: {  	s7 =	sld [smem:$0x3FB5]  }
0x2d: {  	s3 =	simm.s32 $0x108;
	s8 =	sld [smem:$0x3FB6]  }
0x2e: {  	s3 =	simm.s32 @!p0 $0x1082;
	s9 =	sld [smem:$0x3FB7]  }
0x2f: {  	lr =	sadd.s32 s0, s3;
	s0 =	sld [smem:$0x3FAE]  }
0x30: {  	s3 =	sld [smem:$0x3FB1]  }
0x31: {  	[smem:$0x3FBA] =	sst s10  }
0x32: {  	s10 =	sld [smem:$0x3FB8];
	_ =	sdelay $0x3  }
0x33: {  	p0 =	seq.s32 s10, $0x1;
	s10 =	sld [smem:$0x3FBA];
	_ =	sdelay $0x3  }
0x34: {  	[smem:$0x3FBA] =	sst s10  }
0x35: {  	s10 =	sld [smem:$0x3FB9];
	_ =	sdelay $0x3  }
0x36: {  	p1 =	seq.s32 s10, $0x1;
	s10 =	sld [smem:$0x3FBA];
	_ =	sdelay $0x3  }
0x37: {  	[smem:$0x3FBA] =	sst s10  }
0x38: {  	s10 =	sld [smem:$0x3FBB]  }
0x39: {  	_ = 	snop;
	(pc) =	sbr.ind lr, $3  }
0x3a: {  	_ = 	snop  }
0x3b: {  	_ = 	snop  }
0x3c: {  	p2 =	seq.s32 s10, $0x1;
	s10 =	sld [smem:$0x3FBA]  }
0x3d: {  	_ =	shalt  }
0x3e: {  	_ =	shalt  }
0x3f: {  	_ =	shalt  }
0x40: {  	_ =	shalt  }
0x41: {  	_ =	shalt  }
0x42: {  	_ =	shalt  }
0x43: {  	_ =	shalt  }
0x44: {  	_ =	shalt  }
0x45: {  	_ =	shalt  }
0x46: {  	_ =	shalt  }
0x47: {  	_ =	shalt  }
0x48: {  	_ =	shalt  }
0x49: {  	_ =	shalt  }
0x4a: {  	_ =	shalt  }
0x4b: {  	_ =	shalt  }
0x4c: {  	_ =	shalt  }
0x4d: {  	_ =	shalt  }
0x4e: {  	_ =	shalt  }
0x4f: {  	_ =	shalt  }
0x50: {  	_ =	shalt  }
0x51: {  	_ =	shalt  }
0x52: {  	_ =	shalt  }
0x53: {  	_ =	shalt  }
0x54: {  	_ =	shalt  }
0x55: {  	_ =	shalt  }
0x56: {  	_ =	shalt  }
0x57: {  	_ =	shalt  }
0x58: {  	_ =	shalt  }
0x59: {  	_ =	shalt  }
0x5a: {  	_ =	shalt  }
0x5b: {  	_ =	shalt  }
0x5c: {  	_ =	shalt  }
0x5d: {  	_ =	shalt  }
0x5e: {  	_ =	shalt  }
0x5f: {  	_ =	shalt  }
0x60: {  	_ =	shalt  }
0x61: {  	_ =	shalt  }
0x62: {  	_ =	shalt  }
0x63: {  	_ =	shalt  }
0x64: {  	_ =	shalt  }
0x65: {  	_ =	shalt  }
0x66: {  	_ =	shalt  }
0x67: {  	_ =	shalt  }
0x68: {  	_ =	shalt  }
0x69: {  	_ =	shalt  }
0x6a: {  	_ =	shalt  }
0x6b: {  	_ =	shalt  }
0x6c: {  	_ =	shalt  }
0x6d: {  	_ =	shalt  }
0x6e: {  	_ =	shalt  }
0x6f: {  	_ =	shalt  }
0x70: {  	_ =	shalt  }
0x71: {  	_ =	shalt  }
0x72: {  	_ =	shalt  }
0x73: {  	_ =	shalt  }
0x74: {  	_ =	shalt  }
0x75: {  	_ =	shalt  }
0x76: {  	_ =	shalt  }
0x77: {  	_ =	shalt  }
0x78: {  	_ =	shalt  }
0x79: {  	_ =	shalt  }
0x7a: {  	_ =	shalt  }
0x7b: {  	_ =	shalt  }
0x7c: {  	_ =	shalt  }
0x7d: {  	_ =	shalt  }
0x7e: {  	_ =	shalt  }
0x7f: {  	_ =	shalt  }
0x80: {  	_ =	shalt  }
0x81: {  	_ =	shalt  }
0x82: {  	_ =	shalt  }
0x83: {  	_ =	shalt  }
0x84: {  	_ =	shalt  }
0x85: {  	_ =	shalt  }
0x86: {  	_ =	shalt  }
0x87: {  	_ =	shalt  }
.Lfunc_end0:
.L_simem_size_0:
called_computation_lowered:
.L_overlay_start_0:
0x88: {  	s2 =	sld [smem:$0x3FD9]  }
0x89: {  	s3 =	sld [smem:$0x3FFE];
	_ =	sdelay $0x1  }
0x8a: {  	s1 =	srdreg.scid  }
0x8b: {  	s0 =	sand.u32 $0x1, s1  }
0x8c: {  	s18 =	sshll.u32 s0, $0xA;
	s2 =	sadd.s32 s3, s2  }
0x8d: {  	s2 =	sadd.s32 s2, s18  }
0x8e: {  	[smem:$0x3FC6] =	sst s2  }
0x8f: {  	_ = 	snop  }
0x90: {  	s2 =	sld [smem:$0x3FC9]  }
0x91: {  	s19 =	sld [smem:$0x3FC8]  }
0x92: {  	s4 =	sld [smem:$0x3FD0];
	(tm) =	ssettm $0x1  }
0x93: {  	s5 =	sld [smem:$0x3FFB];
	_ =	sdelay $0x3  }
0x94: {  	_ =	strace s5  }
0x95: {  	s5 =	sld [smem:$0x3FFC];
	_ =	sdelay $0x3  }
0x96: {  	_ =	strace s5  }
0x97: {  	s5 =	sld [smem:$0x3FFD];
	_ =	sdelay $0x3  }
0x98: {  	_ =	strace s5  }
0x99: {  	_ =	strace $0x8FFFFFFF  }
0x9a: {  	s20 =	sld [smem:$0x3FDB];
	_ =	sdelay $0x1  }
0x9b: {  	s6 =	simm.s32 $_scs_section_size  }
0x9c: {  	s7 =	simm.s32 $_size__tile_overlayer_lowered;
	s8 =	simm.s32 $_tile_overlayer_lowered  }
0x9d: {  	s23 =	simm.s32 $0x1BFF;
	s22 =	sshll.u32 s8, $0x1;
	s5 =	sadd.s32 s6, s20  }
0x9e: {  	s9 =	simm.s32 $0x0;
	s21 =	sshll.u32 s7, $0x1;
	s7 =	sadd.s32 s22, s5  }
0x9f: {  	[timem:s9], [sflag:s23] =	dma.local [hbm:s7], s21  }
0xa0: {  	_ =	swait.ge [sflag:s23], s21  }
0xa1: {  	s6 =	ssub.s32 $0x0, s21;
	[sflag:s23] =	ssyncset.done $0x0  }
0xa2: {  	[sflag:s23] =	ssyncadd.s32 s6;
	_ =	sdelay $0x1  }
0xa3: {  	s24 =	simm.s32 $0x1B8B  }
0xa4: {  	_ =	swait.ge [sflag:s24], $0x1  }
0xa5: {  	[sflag:s24] =	ssyncset.done $0x0  }
0xa6: {  	s25 =	simm.s32 $0x1B8E;
	[sflag:s24] =	ssyncadd.s32 $0xFFFFFFFF  }
0xa7: {  	s26 =	simm.s32 $execute0_lowered;
	[smem:$0x3FD2] =	sst s25  }
0xa8: {  	s6 =	sshll.u32 s26, $0x1;
	_ =	strace $0x80000046;
	[dreg:$0x1] =	wrdreg $0xFFFFFFFF  }
0xa9: {  	s28 =	simm.s32 $_size_execute0_lowered;
	s5 =	sadd.s32 s5, s6;
	[dreg:$0x0] =	wrdreg $0x0  }
0xaa: {  	s6 =	sshll.u32 s28, $0x1;
	[dreg:$0x2] =	wrdreg s5  }
0xab: {  	[dreg:$0x3] =	wrdreg s6  }
0xac: {  	[dreg:$0x4] =	wrdreg $0xC0  }
0xad: {  	_ =	task [dreg:s9], $0x5FFFF  }
0xae: {  	[dreg:$0x1] =	wrdreg $0xFFFFFFFF  }
0xaf: {  	[dreg:$0x0] =	wrdreg $0x60  }
0xb0: {  	[dreg:$0x2] =	wrdreg s2  }
0xb1: {  	[dreg:$0x3] =	wrdreg s19  }
0xb2: {  	[dreg:$0x4] =	wrdreg s4  }
0xb3: {  	[dreg:$0x5] =	wrdreg $0x9  }
0xb4: {  	_ =	task.clear_ibuf [dreg:s9], $0x6FFFF;
	_ =	strace $0x90000046  }
0xb5: {  	s29 =	simm.s32 $0x9;
	_ =	strace $0x80000048  }
0xb6: {  	_ =	swait.ge [sflag:s29], $0x1  }
0xb7: {  	[sflag:s29] =	ssyncadd.s32 $0xFFFFFFFF  }
0xb8: {  	_ =	strace $0x90000048  }
0xb9: {  	_ =	sfence  }
0xba: {  	s30 =	sld [smem:$0x0];
	_ =	sdelay $0x2  }
0xbb: {  	s31 =	sshll.u32 s1, $0xD;
	s1 =	sshrl.u32 s1, $0x2  }
0xbc: {  	s3 =	sand.u32 $0x4000, s31;
	s1 =	sadd.s32 s1, s30  }
0xbd: {  	s0 =	sor.u32 s3, s0;
	s1 =	sshll.u32 s1, $0x11  }
0xbe: {  	s0 =	sor.u32 s1, s0  }
0xbf: {  	s0 =	sadd.s32 $0x8F2B, s0  }
0xc0: {  	[sflag:s0] =	ssyncadd.remote.s32 $0x1  }
0xc1: {  	_ =	sfence.sel $0xFFFF  }
0xc2: {  	[dreg:$0x0] =	wrdreg $0xFFFFFFFF;
	(pc) =	sbr.abs _section_cstart, $3  }
0xc3: {  	[dreg:$0x1] =	wrdreg $0xFFFFFFFF  }
0xc4: {  	_ =	task.clear_ibuf [dreg:s9], $0x2FFFF;
	_ =	strace $0x9FFFFFFF  }
0xc5: {  	(tm) =	ssettm $0x7FFFFFFF  }
tec
execute0_lowered:
.L_overlay_start_1:
0x0: {  	(tag) =	ssettag $0x1  }
0x1: {  	s1 =	rddreg [dreg:$0x0]  }
0x2: {  	s7 =	rddreg [dreg:$0x1]  }
0x3: {  	s8 =	rddreg [dreg:$0x2]  }
0x4: {  	s0 =	rddreg [dreg:$0x3]  }
0x5: {  	s3 =	simm.s32 $0x0;
	s4 =	srdreg.scid;
	s2 =	stileid.u32  }
0x6: {  	s14 =	simm.s32 $0x4000;
	s15 =	simm.s32 $0x1C700;
	s16 =	simm.s32 $0x0  }
0x7: {  	[smem:$0x7FF] =	sst s3;
	s4 =	sand.u32 $0x1, s4;
	s6 =	sshll.u32 s2, $0x9  }
0x8: {  	s9 =	sshrl.u32 s2, $0x1;
	s13 =	sadd.s32 $0x2000, s8;
	s5 =	ssub.s32 $0x2, s4  }
0x9: {  	s4 =	sshll.u32 s4, $0x8;
	s6 =	sand.u32 $0x200, s6;
	s10 =	smul.u32 $0xC3800, s9  }
0xa: {  	_ =	strace $0x80000047;
	s11 =	sshrl.u32 s5, $0x1;
	s4 =	sor.u32 s4, s6  }
0xb: {  	s29 =	sshll.u32 s9, $0x11;
	s11 =	ssub.s32 s5, s11;
	s30 =	sor.u32 s10, s4  }
0xc: {  	s9 =	sor.u32 s29, s4;
	s12 =	sor.u32 $0x80, s4;
	s5 =	sshrl.u32 s30, $0x3  }
0xd: {  	s9 =	sshrl.u32 s9, $0x3;
	s10 =	sor.u32 s10, s12;
	s12 =	sor.u32 s29, s12  }
0xe: {  	s4 =	sadd.s32 s7, s5;
	s5 =	sadd.s32 s8, s9;
	s10 =	sshrl.u32 s10, $0x3  }
0xf: {  	s6 =	sadd.s32 s9, s13;
	s31 =	sshrl.u32 s12, $0x3;
	s12 =	simm.s32 $0x80  }
0x10: {  	s7 =	sadd.s32 s7, s10;
	s8 =	sadd.s32 s8, s31;
	s9 =	sadd.s32 s31, s13  }
0x11: {  	s10 =	smax.u32 s11, $0x1;
	s11 =	simm.s32 $0x1;
	s13 =	simm.s32 $0x400  }
.LBB2_1:
0x12: {  	[tilespmem:s3], [sflag:$0x1] =	stream.linear.gather [hbm4b:s1+s3], $0x4000, $0x38;
	[tilespmem:$0x1E700] =	vst v63  }
0x13: {  	_ =	swait.ge [sflag:s11], $0x4000  }
0x14: {  	[sflag:s11] =	ssyncset.done $0x0  }
0x15: {  	[sflag:s11] =	ssyncadd.s32 $0xFFFFC000  }
0x16: {  	[tilespmem:s14], [sflag:$0x1] =	stream.strided.gather [hbm4b:s4+s12], $0x18700, s13, s12, $0x38;
	[tilespmem:$0x1E700] =	vst v63  }
0x17: {  	_ =	swait.ge [sflag:s11], $0x18700  }
0x18: {  	[sflag:s11] =	ssyncset.done $0x0  }
0x19: {  	s17 =	simm.s32 $0x0;
	[sflag:s11] =	ssyncadd.s32 $0xFFFE7900  }
0x1a: {  	v0 =	vld [tilespmem:s17+$0x0];
	_ =	sdelay $0x5  }
0x1b: {  	v1 =	vld [tilespmem:s17+$0x10];
	_ =	sdelay $0x1  }
0x1c: {  	v0 =	vld.idx.msk [tilespmem:v0+s14+$0x0], $0xffff;
	_ =	sdelay $0x4  }
0x1d: {  	[tilespmem:s17+$0x1C700] =	vst v0;
	v0 =	vld [tilespmem:s17+$0x20]  }
0x1e: {  	v1 =	vld.idx.msk [tilespmem:v1+s14+$0x0], $0xffff;
	_ =	sdelay $0x4  }
0x1f: {  	[tilespmem:s17+$0x1C710] =	vst v1;
	v1 =	vld [tilespmem:s17+$0x30];
	_ =	sdelay $0x1  }
0x20: {  	v0 =	vld.idx.msk [tilespmem:v0+s14+$0x0], $0xffff;
	_ =	sdelay $0x4  }
0x21: {  	[tilespmem:s17+$0x1C720] =	vst v0;
	v0 =	vld [tilespmem:s17+$0x40]  }
0x22: {  	v1 =	vld.idx.msk [tilespmem:v1+s14+$0x0], $0xffff;
	_ =	sdelay $0x4  }
0x23: {  	[tilespmem:s17+$0x1C730] =	vst v1;
	v1 =	vld [tilespmem:s17+$0x50];
	_ =	sdelay $0x1  }
0x24: {  	v0 =	vld.idx.msk [tilespmem:v0+s14+$0x0], $0xffff;
	_ =	sdelay $0x4  }
0x25: {  	v2 =	vld [tilespmem:s17+$0x60];
	[tilespmem:s17+$0x1C740] =	vst v0  }
0x26: {  	v0 =	vld.idx.msk [tilespmem:v1+s14+$0x0], $0xffff;
	_ =	sdelay $0x4  }
0x27: {  	[tilespmem:s17+$0x1C750] =	vst v0;
	v0 =	vld [tilespmem:s17+$0x70];
	_ =	sdelay $0x1  }
0x28: {  	v1 =	vld.idx.msk [tilespmem:v2+s14+$0x0], $0xffff;
	_ =	sdelay $0x3  }
0x29: {  	s19 =	simm.s32 $0x80;
	s18 =	simm.s32 $0x400  }
.LBB2_2:
0x2a: {  	p0 =	sne.s32 s18, $0x7E00;
	v2 =	vld [tilespmem:s19+$0x0];
	[tilespmem:s17+$0x1C760] =	vst v1  }
0x2b: {  	v0 =	vld.idx.msk [tilespmem:v0+s14+$0x0], $0xffff;
	_ =	sdelay $0x5  }
0x2c: {  	v1 =	vld [tilespmem:s19+$0x10];
	[tilespmem:s17+$0x1C770] =	vst v0;
	s17 =	smov.u32 s19  }
0x2d: {  	v0 =	vld.idx.msk [tilespmem:v2+s14+$0x0], $0xffff;
	_ =	sdelay $0x5  }
0x2e: {  	[tilespmem:s17+$0x1C700] =	vst v0;
	v0 =	vld [tilespmem:s17+$0x20]  }
0x2f: {  	v1 =	vld.idx.msk [tilespmem:v1+s14+$0x0], $0xffff;
	_ =	sdelay $0x5  }
0x30: {  	[tilespmem:s17+$0x1C710] =	vst v1;
	v1 =	vld [tilespmem:s17+$0x30]  }
0x31: {  	v0 =	vld.idx.msk [tilespmem:v0+s14+$0x0], $0xffff;
	_ =	sdelay $0x5  }
0x32: {  	[tilespmem:s17+$0x1C720] =	vst v0;
	v0 =	vld [tilespmem:s17+$0x40]  }
0x33: {  	v1 =	vld.idx.msk [tilespmem:v1+s14+$0x0], $0xffff;
	_ =	sdelay $0x5  }
0x34: {  	[tilespmem:s17+$0x1C730] =	vst v1;
	v1 =	vld [tilespmem:s17+$0x50]  }
0x35: {  	v0 =	vld.idx.msk [tilespmem:v0+s14+$0x0], $0xffff;
	_ =	sdelay $0x5  }
0x36: {  	[tilespmem:s17+$0x1C740] =	vst v0;
	v2 =	vld [tilespmem:s17+$0x60]  }
0x37: {  	v0 =	vld.idx.msk [tilespmem:v1+s14+$0x0], $0xffff;
	_ =	sdelay $0x5  }
0x38: {  	[tilespmem:s17+$0x1C750] =	vst v0;
	v0 =	vld [tilespmem:s17+$0x70]  }
0x39: {  	v1 =	vld.idx.msk [tilespmem:v2+s14+$0x0], $0xffff  }
.Ltmp0:
0x3a: {  	(pc) =	sbr.rel @p0 .LBB2_2-.Ltmp0, $2  }
0x3b: {  	_ =	sdelay $0x2  }
0x3c: {  	s19 =	sshra.s32 s18, $0x2;
	s18 =	sadd.s32 $0x200, s18  }
0x3d: {  	_ =	sdelay $0x1  }
0x3e: {  	v2 =	vld [tilespmem:s19+$0x0]  }
0x3f: {  	[tilespmem:s17+$0x1C760] =	vst v1  }
0x40: {  	v0 =	vld.idx.msk [tilespmem:v0+s14+$0x0], $0xffff;
	_ =	sdelay $0x3  }
0x41: {  	v1 =	vld [tilespmem:s19+$0x10]  }
0x42: {  	[tilespmem:s17+$0x1C770] =	vst v0  }
0x43: {  	v0 =	vld.idx.msk [tilespmem:v2+s14+$0x0], $0xffff;
	_ =	sdelay $0x4  }
0x44: {  	[tilespmem:s19+$0x1C700] =	vst v0;
	v0 =	vld [tilespmem:s19+$0x20]  }
0x45: {  	v1 =	vld.idx.msk [tilespmem:v1+s14+$0x0], $0xffff;
	_ =	sdelay $0x4  }
0x46: {  	[tilespmem:s19+$0x1C710] =	vst v1;
	v1 =	vld [tilespmem:s19+$0x30];
	_ =	sdelay $0x1  }
0x47: {  	v0 =	vld.idx.msk [tilespmem:v0+s14+$0x0], $0xffff;
	_ =	sdelay $0x4  }
0x48: {  	[tilespmem:s19+$0x1C720] =	vst v0;
	v0 =	vld [tilespmem:s19+$0x40]  }
0x49: {  	v1 =	vld.idx.msk [tilespmem:v1+s14+$0x0], $0xffff;
	_ =	sdelay $0x4  }
0x4a: {  	[tilespmem:s19+$0x1C730] =	vst v1;
	v1 =	vld [tilespmem:s19+$0x50];
	_ =	sdelay $0x1  }
0x4b: {  	v0 =	vld.idx.msk [tilespmem:v0+s14+$0x0], $0xffff;
	_ =	sdelay $0x4  }
0x4c: {  	[tilespmem:s19+$0x1C740] =	vst v0;
	v0 =	vld [tilespmem:s19+$0x60]  }
0x4d: {  	v1 =	vld.idx.msk [tilespmem:v1+s14+$0x0], $0xffff;
	_ =	sdelay $0x4  }
0x4e: {  	[tilespmem:s19+$0x1C750] =	vst v1;
	v1 =	vld [tilespmem:s19+$0x70];
	_ =	sdelay $0x1  }
0x4f: {  	v0 =	vld.idx.msk [tilespmem:v0+s14+$0x0], $0xffff;
	_ =	sdelay $0x4  }
0x50: {  	[tilespmem:s19+$0x1C760] =	vst v0  }
0x51: {  	v0 =	vld.idx.msk [tilespmem:v1+s14+$0x0], $0xffff;
	_ =	sdelay $0x4  }
0x52: {  	[tilespmem:s19+$0x1C770] =	vst v0  }
0x53: {  	[hbm4b:s5+s12] =	stream.strided.scatter [tilespmem:s15], [sflag:$0x1], $0x2000, s13, s12, $0x38;
	[tilespmem:$0x1E700] =	vst v63  }
0x54: {  	_ =	swait.ge [sflag:s11], $0x2000  }
0x55: {  	[sflag:s11] =	ssyncset.done $0x0  }
0x56: {  	s17 =	simm.s32 $0x0;
	[sflag:s11] =	ssyncadd.s32 $0xFFFFE000  }
0x57: {  	v0 =	vld [tilespmem:s17+$0x2000];
	_ =	sdelay $0x5  }
0x58: {  	v1 =	vld [tilespmem:s17+$0x2010];
	_ =	sdelay $0x1  }
0x59: {  	v0 =	vld.idx.msk [tilespmem:v0+s14+$0x0], $0xffff;
	_ =	sdelay $0x4  }
0x5a: {  	[tilespmem:s17+$0x1C700] =	vst v0;
	v0 =	vld [tilespmem:s17+$0x2020]  }
0x5b: {  	v1 =	vld.idx.msk [tilespmem:v1+s14+$0x0], $0xffff;
	_ =	sdelay $0x4  }
0x5c: {  	[tilespmem:s17+$0x1C710] =	vst v1;
	v1 =	vld [tilespmem:s17+$0x2030];
	_ =	sdelay $0x1  }
0x5d: {  	v0 =	vld.idx.msk [tilespmem:v0+s14+$0x0], $0xffff;
	_ =	sdelay $0x4  }
0x5e: {  	[tilespmem:s17+$0x1C720] =	vst v0;
	v0 =	vld [tilespmem:s17+$0x2040]  }
0x5f: {  	v1 =	vld.idx.msk [tilespmem:v1+s14+$0x0], $0xffff;
	_ =	sdelay $0x4  }
0x60: {  	[tilespmem:s17+$0x1C730] =	vst v1;
	v1 =	vld [tilespmem:s17+$0x2050];
	_ =	sdelay $0x1  }
0x61: {  	v0 =	vld.idx.msk [tilespmem:v0+s14+$0x0], $0xffff;
	_ =	sdelay $0x4  }
0x62: {  	v2 =	vld [tilespmem:s17+$0x2060];
	[tilespmem:s17+$0x1C740] =	vst v0  }
0x63: {  	v0 =	vld.idx.msk [tilespmem:v1+s14+$0x0], $0xffff;
	_ =	sdelay $0x4  }
0x64: {  	[tilespmem:s17+$0x1C750] =	vst v0;
	v0 =	vld [tilespmem:s17+$0x2070];
	_ =	sdelay $0x1  }
0x65: {  	v1 =	vld.idx.msk [tilespmem:v2+s14+$0x0], $0xffff;
	_ =	sdelay $0x3  }
0x66: {  	s18 =	simm.s32 $0x400;
	s19 =	simm.s32 $0x80  }
.LBB2_4:
0x67: {  	p0 =	sne.s32 s18, $0x7E00;
	v2 =	vld [tilespmem:s19+$0x2000];
	[tilespmem:s17+$0x1C760] =	vst v1  }
0x68: {  	v0 =	vld.idx.msk [tilespmem:v0+s14+$0x0], $0xffff;
	_ =	sdelay $0x5  }
0x69: {  	v1 =	vld [tilespmem:s19+$0x2010];
	[tilespmem:s17+$0x1C770] =	vst v0;
	s17 =	smov.u32 s19  }
0x6a: {  	v0 =	vld.idx.msk [tilespmem:v2+s14+$0x0], $0xffff;
	_ =	sdelay $0x5  }
0x6b: {  	[tilespmem:s17+$0x1C700] =	vst v0;
	v0 =	vld [tilespmem:s17+$0x2020]  }
0x6c: {  	v1 =	vld.idx.msk [tilespmem:v1+s14+$0x0], $0xffff;
	_ =	sdelay $0x5  }
0x6d: {  	[tilespmem:s17+$0x1C710] =	vst v1;
	v1 =	vld [tilespmem:s17+$0x2030]  }
0x6e: {  	v0 =	vld.idx.msk [tilespmem:v0+s14+$0x0], $0xffff;
	_ =	sdelay $0x5  }
0x6f: {  	[tilespmem:s17+$0x1C720] =	vst v0;
	v0 =	vld [tilespmem:s17+$0x2040]  }
0x70: {  	v1 =	vld.idx.msk [tilespmem:v1+s14+$0x0], $0xffff;
	_ =	sdelay $0x5  }
0x71: {  	[tilespmem:s17+$0x1C730] =	vst v1;
	v1 =	vld [tilespmem:s17+$0x2050]  }
0x72: {  	v0 =	vld.idx.msk [tilespmem:v0+s14+$0x0], $0xffff;
	_ =	sdelay $0x5  }
0x73: {  	[tilespmem:s17+$0x1C740] =	vst v0;
	v2 =	vld [tilespmem:s17+$0x2060]  }
0x74: {  	v0 =	vld.idx.msk [tilespmem:v1+s14+$0x0], $0xffff;
	_ =	sdelay $0x5  }
0x75: {  	[tilespmem:s17+$0x1C750] =	vst v0;
	v0 =	vld [tilespmem:s17+$0x2070]  }
0x76: {  	v1 =	vld.idx.msk [tilespmem:v2+s14+$0x0], $0xffff  }
.Ltmp1:
0x77: {  	(pc) =	sbr.rel @p0 .LBB2_4-.Ltmp1, $2  }
0x78: {  	_ =	sdelay $0x2  }
0x79: {  	s19 =	sshra.s32 s18, $0x2;
	s18 =	sadd.s32 $0x200, s18  }
0x7a: {  	_ =	sdelay $0x1  }
0x7b: {  	v2 =	vld [tilespmem:s19+$0x2000]  }
0x7c: {  	[tilespmem:s17+$0x1C760] =	vst v1  }
0x7d: {  	v0 =	vld.idx.msk [tilespmem:v0+s14+$0x0], $0xffff;
	_ =	sdelay $0x3  }
0x7e: {  	v1 =	vld [tilespmem:s19+$0x2010]  }
0x7f: {  	[tilespmem:s17+$0x1C770] =	vst v0  }
0x80: {  	v0 =	vld.idx.msk [tilespmem:v2+s14+$0x0], $0xffff;
	_ =	sdelay $0x4  }
0x81: {  	[tilespmem:s19+$0x1C700] =	vst v0;
	v0 =	vld [tilespmem:s19+$0x2020]  }
0x82: {  	v1 =	vld.idx.msk [tilespmem:v1+s14+$0x0], $0xffff;
	_ =	sdelay $0x4  }
0x83: {  	[tilespmem:s19+$0x1C710] =	vst v1;
	v1 =	vld [tilespmem:s19+$0x2030];
	_ =	sdelay $0x1  }
0x84: {  	v0 =	vld.idx.msk [tilespmem:v0+s14+$0x0], $0xffff;
	_ =	sdelay $0x4  }
0x85: {  	[tilespmem:s19+$0x1C720] =	vst v0;
	v0 =	vld [tilespmem:s19+$0x2040]  }
0x86: {  	v1 =	vld.idx.msk [tilespmem:v1+s14+$0x0], $0xffff;
	_ =	sdelay $0x4  }
0x87: {  	[tilespmem:s19+$0x1C730] =	vst v1;
	v1 =	vld [tilespmem:s19+$0x2050];
	_ =	sdelay $0x1  }
0x88: {  	v0 =	vld.idx.msk [tilespmem:v0+s14+$0x0], $0xffff;
	_ =	sdelay $0x4  }
0x89: {  	[tilespmem:s19+$0x1C740] =	vst v0;
	v0 =	vld [tilespmem:s19+$0x2060]  }
0x8a: {  	v1 =	vld.idx.msk [tilespmem:v1+s14+$0x0], $0xffff;
	_ =	sdelay $0x4  }
0x8b: {  	[tilespmem:s19+$0x1C750] =	vst v1;
	v1 =	vld [tilespmem:s19+$0x2070];
	_ =	sdelay $0x1  }
0x8c: {  	v0 =	vld.idx.msk [tilespmem:v0+s14+$0x0], $0xffff;
	_ =	sdelay $0x4  }
0x8d: {  	[tilespmem:s19+$0x1C760] =	vst v0  }
0x8e: {  	v0 =	vld.idx.msk [tilespmem:v1+s14+$0x0], $0xffff;
	_ =	sdelay $0x4  }
0x8f: {  	[tilespmem:s19+$0x1C770] =	vst v0  }
0x90: {  	[hbm4b:s6+s12] =	stream.strided.scatter [tilespmem:s15], [sflag:$0x1], $0x2000, s13, s12, $0x38;
	[tilespmem:$0x1E700] =	vst v63  }
0x91: {  	_ =	swait.ge [sflag:s11], $0x2000  }
0x92: {  	[sflag:s11] =	ssyncset.done $0x0  }
0x93: {  	[sflag:s11] =	ssyncadd.s32 $0xFFFFE000  }
0x94: {  	[tilespmem:s14], [sflag:$0x1] =	stream.strided.gather [hbm4b:s7+s12], $0x18700, s13, s12, $0x38;
	[tilespmem:$0x1E700] =	vst v63  }
0x95: {  	_ =	swait.ge [sflag:s11], $0x18700  }
0x96: {  	[sflag:s11] =	ssyncset.done $0x0  }
0x97: {  	s17 =	simm.s32 $0x0;
	[sflag:s11] =	ssyncadd.s32 $0xFFFE7900  }
0x98: {  	v0 =	vld [tilespmem:s17+$0x0];
	_ =	sdelay $0x5  }
0x99: {  	v1 =	vld [tilespmem:s17+$0x10];
	_ =	sdelay $0x1  }
0x9a: {  	v0 =	vld.idx.msk [tilespmem:v0+s14+$0x0], $0xffff;
	_ =	sdelay $0x4  }
0x9b: {  	[tilespmem:s17+$0x1C700] =	vst v0;
	v0 =	vld [tilespmem:s17+$0x20]  }
0x9c: {  	v1 =	vld.idx.msk [tilespmem:v1+s14+$0x0], $0xffff;
	_ =	sdelay $0x4  }
0x9d: {  	[tilespmem:s17+$0x1C710] =	vst v1;
	v1 =	vld [tilespmem:s17+$0x30];
	_ =	sdelay $0x1  }
0x9e: {  	v0 =	vld.idx.msk [tilespmem:v0+s14+$0x0], $0xffff;
	_ =	sdelay $0x4  }
0x9f: {  	[tilespmem:s17+$0x1C720] =	vst v0;
	v0 =	vld [tilespmem:s17+$0x40]  }
0xa0: {  	v1 =	vld.idx.msk [tilespmem:v1+s14+$0x0], $0xffff;
	_ =	sdelay $0x4  }
0xa1: {  	[tilespmem:s17+$0x1C730] =	vst v1;
	v1 =	vld [tilespmem:s17+$0x50];
	_ =	sdelay $0x1  }
0xa2: {  	v0 =	vld.idx.msk [tilespmem:v0+s14+$0x0], $0xffff;
	_ =	sdelay $0x4  }
0xa3: {  	v2 =	vld [tilespmem:s17+$0x60];
	[tilespmem:s17+$0x1C740] =	vst v0  }
0xa4: {  	v0 =	vld.idx.msk [tilespmem:v1+s14+$0x0], $0xffff;
	_ =	sdelay $0x4  }
0xa5: {  	[tilespmem:s17+$0x1C750] =	vst v0;
	v0 =	vld [tilespmem:s17+$0x70];
	_ =	sdelay $0x1  }
0xa6: {  	v1 =	vld.idx.msk [tilespmem:v2+s14+$0x0], $0xffff;
	_ =	sdelay $0x3  }
0xa7: {  	s18 =	simm.s32 $0x400;
	s19 =	simm.s32 $0x80  }
.LBB2_6:
0xa8: {  	p0 =	sne.s32 s18, $0x7E00;
	v2 =	vld [tilespmem:s19+$0x0];
	[tilespmem:s17+$0x1C760] =	vst v1  }
0xa9: {  	v0 =	vld.idx.msk [tilespmem:v0+s14+$0x0], $0xffff;
	_ =	sdelay $0x5  }
0xaa: {  	v1 =	vld [tilespmem:s19+$0x10];
	[tilespmem:s17+$0x1C770] =	vst v0;
	s17 =	smov.u32 s19  }
0xab: {  	v0 =	vld.idx.msk [tilespmem:v2+s14+$0x0], $0xffff;
	_ =	sdelay $0x5  }
0xac: {  	[tilespmem:s17+$0x1C700] =	vst v0;
	v0 =	vld [tilespmem:s17+$0x20]  }
0xad: {  	v1 =	vld.idx.msk [tilespmem:v1+s14+$0x0], $0xffff;
	_ =	sdelay $0x5  }
0xae: {  	[tilespmem:s17+$0x1C710] =	vst v1;
	v1 =	vld [tilespmem:s17+$0x30]  }
0xaf: {  	v0 =	vld.idx.msk [tilespmem:v0+s14+$0x0], $0xffff;
	_ =	sdelay $0x5  }
0xb0: {  	[tilespmem:s17+$0x1C720] =	vst v0;
	v0 =	vld [tilespmem:s17+$0x40]  }
0xb1: {  	v1 =	vld.idx.msk [tilespmem:v1+s14+$0x0], $0xffff;
	_ =	sdelay $0x5  }
0xb2: {  	[tilespmem:s17+$0x1C730] =	vst v1;
	v1 =	vld [tilespmem:s17+$0x50]  }
0xb3: {  	v0 =	vld.idx.msk [tilespmem:v0+s14+$0x0], $0xffff;
	_ =	sdelay $0x5  }
0xb4: {  	[tilespmem:s17+$0x1C740] =	vst v0;
	v2 =	vld [tilespmem:s17+$0x60]  }
0xb5: {  	v0 =	vld.idx.msk [tilespmem:v1+s14+$0x0], $0xffff;
	_ =	sdelay $0x5  }
0xb6: {  	[tilespmem:s17+$0x1C750] =	vst v0;
	v0 =	vld [tilespmem:s17+$0x70]  }
0xb7: {  	v1 =	vld.idx.msk [tilespmem:v2+s14+$0x0], $0xffff  }
.Ltmp2:
0xb8: {  	(pc) =	sbr.rel @p0 .LBB2_6-.Ltmp2, $2  }
0xb9: {  	_ =	sdelay $0x2  }
0xba: {  	s19 =	sshra.s32 s18, $0x2;
	s18 =	sadd.s32 $0x200, s18  }
0xbb: {  	_ =	sdelay $0x1  }
0xbc: {  	v2 =	vld [tilespmem:s19+$0x0]  }
0xbd: {  	[tilespmem:s17+$0x1C760] =	vst v1  }
0xbe: {  	v0 =	vld.idx.msk [tilespmem:v0+s14+$0x0], $0xffff;
	_ =	sdelay $0x3  }
0xbf: {  	v1 =	vld [tilespmem:s19+$0x10]  }
0xc0: {  	[tilespmem:s17+$0x1C770] =	vst v0  }
0xc1: {  	v0 =	vld.idx.msk [tilespmem:v2+s14+$0x0], $0xffff;
	_ =	sdelay $0x4  }
0xc2: {  	[tilespmem:s19+$0x1C700] =	vst v0;
	v0 =	vld [tilespmem:s19+$0x20]  }
0xc3: {  	v1 =	vld.idx.msk [tilespmem:v1+s14+$0x0], $0xffff;
	_ =	sdelay $0x4  }
0xc4: {  	[tilespmem:s19+$0x1C710] =	vst v1;
	v1 =	vld [tilespmem:s19+$0x30];
	_ =	sdelay $0x1  }
0xc5: {  	v0 =	vld.idx.msk [tilespmem:v0+s14+$0x0], $0xffff;
	_ =	sdelay $0x4  }
0xc6: {  	[tilespmem:s19+$0x1C720] =	vst v0;
	v0 =	vld [tilespmem:s19+$0x40]  }
0xc7: {  	v1 =	vld.idx.msk [tilespmem:v1+s14+$0x0], $0xffff;
	_ =	sdelay $0x4  }
0xc8: {  	[tilespmem:s19+$0x1C730] =	vst v1;
	v1 =	vld [tilespmem:s19+$0x50];
	_ =	sdelay $0x1  }
0xc9: {  	v0 =	vld.idx.msk [tilespmem:v0+s14+$0x0], $0xffff;
	_ =	sdelay $0x4  }
0xca: {  	[tilespmem:s19+$0x1C740] =	vst v0;
	v0 =	vld [tilespmem:s19+$0x60]  }
0xcb: {  	v1 =	vld.idx.msk [tilespmem:v1+s14+$0x0], $0xffff;
	_ =	sdelay $0x4  }
0xcc: {  	[tilespmem:s19+$0x1C750] =	vst v1;
	v1 =	vld [tilespmem:s19+$0x70];
	_ =	sdelay $0x1  }
0xcd: {  	v0 =	vld.idx.msk [tilespmem:v0+s14+$0x0], $0xffff;
	_ =	sdelay $0x4  }
0xce: {  	[tilespmem:s19+$0x1C760] =	vst v0  }
0xcf: {  	v0 =	vld.idx.msk [tilespmem:v1+s14+$0x0], $0xffff;
	_ =	sdelay $0x4  }
0xd0: {  	[tilespmem:s19+$0x1C770] =	vst v0  }
0xd1: {  	[hbm4b:s8+s12] =	stream.strided.scatter [tilespmem:s15], [sflag:$0x1], $0x2000, s13, s12, $0x38;
	[tilespmem:$0x1E700] =	vst v63  }
0xd2: {  	_ =	swait.ge [sflag:s11], $0x2000  }
0xd3: {  	[sflag:s11] =	ssyncset.done $0x0  }
0xd4: {  	s17 =	simm.s32 $0x0;
	[sflag:s11] =	ssyncadd.s32 $0xFFFFE000  }
0xd5: {  	v0 =	vld [tilespmem:s17+$0x2000];
	_ =	sdelay $0x5  }
0xd6: {  	v1 =	vld [tilespmem:s17+$0x2010];
	_ =	sdelay $0x1  }
0xd7: {  	v0 =	vld.idx.msk [tilespmem:v0+s14+$0x0], $0xffff;
	_ =	sdelay $0x4  }
0xd8: {  	[tilespmem:s17+$0x1C700] =	vst v0;
	v0 =	vld [tilespmem:s17+$0x2020]  }
0xd9: {  	v1 =	vld.idx.msk [tilespmem:v1+s14+$0x0], $0xffff;
	_ =	sdelay $0x4  }
0xda: {  	[tilespmem:s17+$0x1C710] =	vst v1;
	v1 =	vld [tilespmem:s17+$0x2030];
	_ =	sdelay $0x1  }
0xdb: {  	v0 =	vld.idx.msk [tilespmem:v0+s14+$0x0], $0xffff;
	_ =	sdelay $0x4  }
0xdc: {  	[tilespmem:s17+$0x1C720] =	vst v0;
	v0 =	vld [tilespmem:s17+$0x2040]  }
0xdd: {  	v1 =	vld.idx.msk [tilespmem:v1+s14+$0x0], $0xffff;
	_ =	sdelay $0x4  }
0xde: {  	[tilespmem:s17+$0x1C730] =	vst v1;
	v1 =	vld [tilespmem:s17+$0x2050];
	_ =	sdelay $0x1  }
0xdf: {  	v0 =	vld.idx.msk [tilespmem:v0+s14+$0x0], $0xffff;
	_ =	sdelay $0x4  }
0xe0: {  	v2 =	vld [tilespmem:s17+$0x2060];
	[tilespmem:s17+$0x1C740] =	vst v0  }
0xe1: {  	v0 =	vld.idx.msk [tilespmem:v1+s14+$0x0], $0xffff;
	_ =	sdelay $0x4  }
0xe2: {  	[tilespmem:s17+$0x1C750] =	vst v0;
	v0 =	vld [tilespmem:s17+$0x2070];
	_ =	sdelay $0x1  }
0xe3: {  	v1 =	vld.idx.msk [tilespmem:v2+s14+$0x0], $0xffff;
	_ =	sdelay $0x3  }
0xe4: {  	s18 =	simm.s32 $0x400;
	s19 =	simm.s32 $0x80  }
.LBB2_8:
0xe5: {  	p0 =	sne.s32 s18, $0x7E00;
	v2 =	vld [tilespmem:s19+$0x2000];
	[tilespmem:s17+$0x1C760] =	vst v1  }
0xe6: {  	v0 =	vld.idx.msk [tilespmem:v0+s14+$0x0], $0xffff;
	_ =	sdelay $0x5  }
0xe7: {  	v1 =	vld [tilespmem:s19+$0x2010];
	[tilespmem:s17+$0x1C770] =	vst v0;
	s17 =	smov.u32 s19  }
0xe8: {  	v0 =	vld.idx.msk [tilespmem:v2+s14+$0x0], $0xffff;
	_ =	sdelay $0x5  }
0xe9: {  	[tilespmem:s17+$0x1C700] =	vst v0;
	v0 =	vld [tilespmem:s17+$0x2020]  }
0xea: {  	v1 =	vld.idx.msk [tilespmem:v1+s14+$0x0], $0xffff;
	_ =	sdelay $0x5  }
0xeb: {  	[tilespmem:s17+$0x1C710] =	vst v1;
	v1 =	vld [tilespmem:s17+$0x2030]  }
0xec: {  	v0 =	vld.idx.msk [tilespmem:v0+s14+$0x0], $0xffff;
	_ =	sdelay $0x5  }
0xed: {  	[tilespmem:s17+$0x1C720] =	vst v0;
	v0 =	vld [tilespmem:s17+$0x2040]  }
0xee: {  	v1 =	vld.idx.msk [tilespmem:v1+s14+$0x0], $0xffff;
	_ =	sdelay $0x5  }
0xef: {  	[tilespmem:s17+$0x1C730] =	vst v1;
	v1 =	vld [tilespmem:s17+$0x2050]  }
0xf0: {  	v0 =	vld.idx.msk [tilespmem:v0+s14+$0x0], $0xffff;
	_ =	sdelay $0x5  }
0xf1: {  	[tilespmem:s17+$0x1C740] =	vst v0;
	v2 =	vld [tilespmem:s17+$0x2060]  }
0xf2: {  	v0 =	vld.idx.msk [tilespmem:v1+s14+$0x0], $0xffff;
	_ =	sdelay $0x5  }
0xf3: {  	[tilespmem:s17+$0x1C750] =	vst v0;
	v0 =	vld [tilespmem:s17+$0x2070]  }
0xf4: {  	v1 =	vld.idx.msk [tilespmem:v2+s14+$0x0], $0xffff  }
.Ltmp3:
0xf5: {  	(pc) =	sbr.rel @p0 .LBB2_8-.Ltmp3, $2  }
0xf6: {  	_ =	sdelay $0x2  }
0xf7: {  	s19 =	sshra.s32 s18, $0x2;
	s18 =	sadd.s32 $0x200, s18  }
0xf8: {  	_ =	sdelay $0x1  }
0xf9: {  	v2 =	vld [tilespmem:s19+$0x2000]  }
0xfa: {  	[tilespmem:s17+$0x1C760] =	vst v1  }
0xfb: {  	v0 =	vld.idx.msk [tilespmem:v0+s14+$0x0], $0xffff;
	_ =	sdelay $0x3  }
0xfc: {  	v1 =	vld [tilespmem:s19+$0x2010]  }
0xfd: {  	[tilespmem:s17+$0x1C770] =	vst v0  }
0xfe: {  	v0 =	vld.idx.msk [tilespmem:v2+s14+$0x0], $0xffff;
	_ =	sdelay $0x3  }
0xff: {  	v58 =	vld [tilespmem:s19+$0x2020]  }
0x100: {  	[tilespmem:s19+$0x1C700] =	vst v0  }
0x101: {  	v1 =	vld.idx.msk [tilespmem:v1+s14+$0x0], $0xffff;
	_ =	sdelay $0x3  }
0x102: {  	v59 =	vld [tilespmem:s19+$0x2030]  }
0x103: {  	[tilespmem:s19+$0x1C710] =	vst v1  }
0x104: {  	v0 =	vld.idx.msk [tilespmem:v58+s14+$0x0], $0xffff;
	_ =	sdelay $0x3  }
0x105: {  	v60 =	vld [tilespmem:s19+$0x2040]  }
0x106: {  	[tilespmem:s19+$0x1C720] =	vst v0  }
0x107: {  	v1 =	vld.idx.msk [tilespmem:v59+s14+$0x0], $0xffff;
	_ =	sdelay $0x3  }
0x108: {  	v61 =	vld [tilespmem:s19+$0x2050]  }
0x109: {  	[tilespmem:s19+$0x1C730] =	vst v1  }
0x10a: {  	v0 =	vld.idx.msk [tilespmem:v60+s14+$0x0], $0xffff;
	_ =	sdelay $0x3  }
0x10b: {  	v62 =	vld [tilespmem:s19+$0x2060]  }
0x10c: {  	[tilespmem:s19+$0x1C740] =	vst v0  }
0x10d: {  	v1 =	vld.idx.msk [tilespmem:v61+s14+$0x0], $0xffff;
	_ =	sdelay $0x3  }
0x10e: {  	v63 =	vld [tilespmem:s19+$0x2070]  }
0x10f: {  	[tilespmem:s19+$0x1C750] =	vst v1  }
0x110: {  	v0 =	vld.idx.msk [tilespmem:v62+s14+$0x0], $0xffff;
	_ =	sdelay $0x4  }
0x111: {  	[tilespmem:s19+$0x1C760] =	vst v0  }
0x112: {  	v0 =	vld.idx.msk [tilespmem:v63+s14+$0x0], $0xffff;
	_ =	sdelay $0x2  }
0x113: {  	s16 =	sadd.s32 $0x1, s16  }
0x114: {  	p0 =	sne.s32 s16, s10  }
.Ltmp4:
0x115: {  	[tilespmem:s19+$0x1C770] =	vst v0;
	(pc) =	sbr.rel @p0 .LBB2_1-.Ltmp4, $4  }
0x116: {  	[hbm4b:s9+s12] =	stream.strided.scatter [tilespmem:s15], [sflag:$0x1], $0x2000, s13, s12, $0x38;
	[tilespmem:$0x1E700] =	vst v63  }
0x117: {  	_ =	swait.ge [sflag:s11], $0x2000  }
0x118: {  	[sflag:s11] =	ssyncset.done $0x0  }
0x119: {  	[sflag:s11] =	ssyncadd.s32 $0xFFFFE000  }
0x11a: {  	_ =	sfence.sel $0x180000  }
0x11b: {  	[bflag:$0x0] =	sbarrier.arrive $0xFFFF  }
0x11c: {  	p0 =	sne.s32 s2, $0x0;
	_ =	strace $0x90000047  }
0x11d: {  	s0 =	sadd.s32 @!p0 $0x100000, s0;
	[bflag:$0x2] =	sbarrier.arrive $0xFFFF  }
0x11e: {  	[sflag:s0] =	ssyncadd.tile.s32 @!p0 $0x1;
	_ =	shalt  }
.Lfunc_end2:
_tile_overlayer_lowered:
.L_overlay_start_2:
0x11f: {  	(tag) =	ssettag $0x2  }
0x120: {  	s0 =	rddreg [dreg:$0x0];
	s2 =	stileid.u32  }
0x121: {  	s1 =	rddreg [dreg:$0x1];
	p0 =	sne.s32 s2, $0x0  }
0x122: {  	s3 =	rddreg [dreg:$0x2];
	[bflag:$0x3] =	sbarrier.arrive $0xFFFF;
	s2 =	simm.s32 @!p0 $0x1C01  }
0x123: {  	[timem:s3], [sflag:s2] =	dma.local @!p0 [hbm:s0], s1  }
0x124: {  	s0 =	simm.s32 @!p0 $0x1  }
0x125: {  	_ =	swait.ge @!p0 [sflag:s0], s1  }
0x126: {  	s1 =	ssub.s32 @!p0 $0x0, s1;
	[sflag:s0] =	ssyncset.done @!p0 $0x0  }
0x127: {  	[sflag:s0] =	ssyncadd.s32 @!p0 s1  }
0x128: {  	[bflag:$0x3] =	sbarrier.arrive $0xFFFF  }
0x129: {  	_ =	shalt  }

</sc_bundles>
